<compile_context>
chip_gen: v7x
topology: tpu7x:2x2x1
jax: 0.10.2.dev20260603
libtpu: 0.0.44.dev20260713+nightly
codegen_flags: <defaults>
</compile_context>

<pallas_src>
import functools
import math

import jax
import jax.numpy as jnp
from jax import lax
from jax.experimental import pallas as pl
from jax.experimental.pallas import tpu as pltpu
from jax.experimental.pallas import tpu_sc as plsc

_EPS = 1e-08
_LOG_LO = math.log(1e-10)
_LOG_HI = math.log(1e4)
_DIM = 64
_NB = 1024
_CHUNK = 128
_INTERPRET = False


def _lv(w):
    sp = jnp.maximum(w, 0.0) + jnp.log1p(jnp.exp(-jnp.abs(w)))
    s = jnp.sum(jnp.log(sp), axis=-1)
    return jnp.clip(s, _LOG_LO, _LOG_HI)


def _reg_sums(mn, mx):
    s1 = jnp.sum(jnp.maximum(mx - 1.0 + _EPS, 0.0))
    s2 = jnp.sum(mn * mn)
    return s1, s2


def _compute_body(gcomb_ref, grel_ref, out_ref):
    step = pl.program_id(0)
    blk = gcomb_ref[...]
    mn = blk[:, :, :_DIM]
    mx = mn + jnp.exp(blk[:, :, _DIM:])
    rblk = grel_ref[...]
    rel = rblk[:, :, :_DIM]
    sc = rblk[:, :, _DIM:] + _EPS

    mn1, mx1, mn2, mx2 = mn[0], mx[0], mn[1], mx[1]
    w_i = jnp.minimum(mx1, mx2) - jnp.maximum(mn1, mn2)
    nf1 = jnp.sum(1.0 - jnp.exp(_lv(w_i) - _lv(mx1 - mn1)))
    r_nf1 = [_reg_sums(mn1, mx1), _reg_sums(mn2, mx2)]

    mn1, mx1, mn2, mx2 = mn[2], mx[2], mn[3], mx[3]
    mn3, mx3 = mn[4], mx[4]
    mni = jnp.maximum(mn1, mn2)
    mxi = jnp.minimum(mx1, mx2)
    w_i123 = jnp.minimum(mxi, mx3) - jnp.maximum(mni, mn3)
    nf2 = jnp.sum(1.0 - jnp.exp(_lv(w_i123) - _lv(mxi - mni)))
    r_nf2 = [_reg_sums(mni, mxi), _reg_sums(mn1, mx1),
             _reg_sums(mn2, mx2), _reg_sums(mn3, mx3)]

    mn1, mx1, mn2, mx2 = mn[5], mx[5], mn[6], mx[6]
    tmn = mn1 * sc[0] + rel[0]
    tmx = mx1 * sc[0] + rel[0]
    w_i = jnp.minimum(tmx, mx2) - jnp.maximum(tmn, mn2)
    nf3 = jnp.sum(1.0 - jnp.exp(_lv(w_i) - _lv(tmx - tmn)))
    r_nf3 = [_reg_sums(tmn, tmx), _reg_sums(mn1, mx1), _reg_sums(mn2, mx2)]

    mn1, mx1, mn2, mx2 = mn[7], mx[7], mn[8], mx[8]
    tmn = (mn1 - rel[1]) / sc[1]
    tmx = (mx1 - rel[1]) / sc[1]
    w_i = jnp.minimum(tmx, mx2) - jnp.maximum(tmn, mn2)
    nf4 = jnp.sum(1.0 - jnp.exp(_lv(w_i) - _lv(tmx - tmn)))
    r_nf4 = [_reg_sums(tmn, tmx), _reg_sums(mn1, mx1), _reg_sums(mn2, mx2)]

    mn1, mx1, mn2, mx2 = mn[9], mx[9], mn[10], mx[10]
    w_i = jnp.minimum(mx1, mx2) - jnp.maximum(mn1, mn2)
    dj = jnp.sum(jnp.exp(_lv(w_i) - (_lv(mx1 - mn1) + _lv(mx2 - mn2))))
    r_dj = [_reg_sums(mn1, mx1), _reg_sums(mn2, mx2)]

    mn1, mx1, mn2, mx2 = mn[11], mx[11], mn[12], mx[12]
    tmn = mn1 * sc[2] + rel[2]
    tmx = mx1 * sc[2] + rel[2]
    w_i = jnp.minimum(tmx, mx2) - jnp.maximum(tmn, mn2)
    nf3n = jnp.sum(jnp.exp(_lv(w_i) - _lv(tmx - tmn)))
    r_nf3n = [_reg_sums(tmn, tmx), _reg_sums(mn1, mx1), _reg_sums(mn2, mx2)]

    parts = [nf1, nf2, nf3, nf4, dj, nf3n]
    for s1, s2 in (r_nf1 + r_nf2 + r_nf3 + r_nf4 + r_dj + r_nf3n):
        parts.append(s1)
        parts.append(s2)
    vals = jnp.concatenate([jnp.stack(parts),
                            jnp.zeros((128 - len(parts),), jnp.float32)])

    @pl.when(step == 0)
    def _():
        out_ref[...] = vals

    @pl.when(step != 0)
    def _():
        out_ref[...] += vals


def _compute_partials(gcomb, grel):
    b = gcomb.shape[1]
    grid = (b // _NB,)
    return pl.pallas_call(
        _compute_body,
        grid=grid,
        in_specs=[
            pl.BlockSpec((13, _NB, 2 * _DIM), lambda i: (0, i, 0)),
            pl.BlockSpec((3, _NB, 2 * _DIM), lambda i: (0, i, 0)),
        ],
        out_specs=pl.BlockSpec((128,), lambda i: (0,)),
        out_shape=jax.ShapeDtypeStruct((128,), jnp.float32),
        interpret=_INTERPRET,
    )(gcomb, grel)


_VB = 4096


def _reformat_body(mint_ref, delt_ref, out_ref):
    eye = jnp.eye(_DIM, dtype=jnp.float32)
    dn = (((0,), (0,)), ((), ()))
    mt = lax.dot_general(mint_ref[...], eye, dn,
                         preferred_element_type=jnp.float32)
    dt = lax.dot_general(delt_ref[...], eye, dn,
                         preferred_element_type=jnp.float32)
    out_ref[...] = jnp.concatenate([mt, dt], axis=1)


def _build_combined(min_t, delta_t):
    v = min_t.shape[1]
    grid = (pl.cdiv(v, _VB),)
    return pl.pallas_call(
        _reformat_body,
        grid=grid,
        in_specs=[
            pl.BlockSpec((_DIM, _VB), lambda i: (0, i)),
            pl.BlockSpec((_DIM, _VB), lambda i: (0, i)),
        ],
        out_specs=pl.BlockSpec((_VB, 2 * _DIM), lambda i: (i, 0)),
        out_shape=jax.ShapeDtypeStruct((v, 2 * _DIM), jnp.float32),
        interpret=_INTERPRET,
    )(min_t, delta_t)


def _sc_gather_all(tcomb, trelc, idx_all, idx_rel):
    n_big = idx_all.shape[0]
    n_rel = idx_rel.shape[0]
    w = 2 * _DIM
    info = plsc.get_sparse_core_info()
    nc, ns = info.num_cores, info.num_subcores
    nw = nc * ns
    pw_big = n_big // nw
    pw_rel = n_rel // nw
    out_t = [jax.ShapeDtypeStruct((n_big, w), jnp.float32),
             jax.ShapeDtypeStruct((n_rel, w), jnp.float32)]
    mesh = plsc.VectorSubcoreMesh(core_axis_name="c", subcore_axis_name="s")

    @functools.partial(
        pl.kernel, mesh=mesh, out_type=out_t,
        scratch_types=[
            pltpu.VMEM((pw_big,), jnp.int32),
            pltpu.VMEM((pw_rel,), jnp.int32),
            pltpu.VMEM((_CHUNK, w), jnp.float32),
            pltpu.VMEM((_CHUNK, w), jnp.float32),
            pltpu.SemaphoreType.DMA,
            pltpu.SemaphoreType.DMA,
        ],
    )
    def k(tc_h, tr_h, ia_h, ir_h, ocomb, orel,
          ia_v, ir_v, b0, b1, sem_a, sem_b):
        wid = lax.axis_index("s") * nc + lax.axis_index("c")
        pltpu.sync_copy(ia_h.at[pl.ds(wid * pw_big, pw_big)], ia_v)
        pltpu.sync_copy(ir_h.at[pl.ds(wid * pw_rel, pw_rel)], ir_v)

        def pair_loop(n_pairs, tab, idx_v, out, base):
            def body(i, carry):
                c0 = i * 2 * _CHUNK
                c1 = c0 + _CHUNK
                g0 = pltpu.async_copy(tab.at[idx_v.at[pl.ds(c0, _CHUNK)]],
                                      b0, sem_a)
                g1 = pltpu.async_copy(tab.at[idx_v.at[pl.ds(c1, _CHUNK)]],
                                      b1, sem_b)
                g0.wait()
                pltpu.sync_copy(b0, out.at[pl.ds(base + c0, _CHUNK)])
                g1.wait()
                pltpu.sync_copy(b1, out.at[pl.ds(base + c1, _CHUNK)])
                return carry

            lax.fori_loop(0, n_pairs, body, 0)

        pair_loop(pw_big // (2 * _CHUNK), tc_h, ia_v, ocomb, wid * pw_big)
        pair_loop(pw_rel // (2 * _CHUNK), tr_h, ir_v, orel, wid * pw_rel)

    return k(tcomb, trelc, idx_all, idx_rel)


def kernel(min_embedding, delta_embedding, relation_embedding, scaling_embedding,
           data0, data1, data2, data3, data4, data5, data6):
    b = data0.shape[0]
    idx_all = jnp.concatenate([
        data0[:, 0], data0[:, 2],
        data1[:, 0], data1[:, 1], data1[:, 2],
        data2[:, 0], data2[:, 2],
        data3[:, 1], data3[:, 2],
        data4[:, 0], data4[:, 1],
        data6[:, 0], data6[:, 2],
    ])
    idx_rel = jnp.concatenate([data2[:, 1], data3[:, 0], data6[:, 1]])

    tcomb = _build_combined(min_embedding.T, delta_embedding.T)
    trelc = jnp.concatenate([relation_embedding, scaling_embedding], axis=1)

    gcomb, grelc = _sc_gather_all(tcomb, trelc, idx_all, idx_rel)
    gcomb = gcomb.reshape(13, b, 2 * _DIM)
    grelc = grelc.reshape(3, b, 2 * _DIM)

    s = _compute_partials(gcomb, grelc)

    denom = float(b * _DIM)

    def l2s(j):
        s1 = s[6 + 2 * j]
        s2 = s[7 + 2 * j]
        return s1 / denom + jnp.maximum(jnp.sqrt(s2) - 1.0, 0.0)

    nf1_reg = l2s(0) + l2s(1)
    nf2_reg = l2s(2) + l2s(3) + l2s(4) + l2s(5)
    nf3_reg = l2s(6) + l2s(7) + l2s(8)
    nf4_reg = l2s(9) + l2s(10) + l2s(11)
    dj_reg = l2s(12) + l2s(13)
    nf3n_reg = l2s(14) + l2s(15) + l2s(16)
    return (s[0], s[1], s[2], s[3], s[4], s[5],
            nf1_reg, nf2_reg, nf3_reg, nf4_reg, dj_reg, nf3n_reg)

# --- scband reference (transcript-rebuilt; emitter-appended) ---
"""Pipeline reference for scband-box-el-45887430591044 (READ-ONLY COPY).

The authoritative reference and input builder live on the scoring server;
editing this copy changes nothing except your own understanding.
"""

import jax, jax.numpy as jnp
import numpy as np

EPS = 1e-08
TEMP = 1.0
VOCAB = 1000000
REL = 1000
DIM = 64
B = 16384


def setup_inputs(seed: int = 0):
    key = jax.random.key(seed)
    ks = jax.random.split(key, 11)
    min_embedding = jax.random.uniform(ks[0], (VOCAB, DIM), dtype=jnp.float32, minval=0.0001, maxval=0.2)
    delta_embedding = jax.random.uniform(ks[1], (VOCAB, DIM), dtype=jnp.float32, minval=-0.1, maxval=0.0)
    relation_embedding = jax.random.uniform(ks[2], (REL, DIM), dtype=jnp.float32, minval=-0.1, maxval=0.1)
    scaling_embedding = jax.random.uniform(ks[3], (REL, DIM), dtype=jnp.float32, minval=0.9, maxval=1.1)
    data0 = jax.random.randint(ks[4], (B, 3), 0, VOCAB, dtype=jnp.int32)
    data1 = jax.random.randint(ks[5], (B, 3), 0, VOCAB, dtype=jnp.int32)
    data2 = jax.random.randint(ks[6], (B, 3), 0, REL, dtype=jnp.int32)
    data3 = jax.random.randint(ks[7], (B, 3), 0, REL, dtype=jnp.int32)
    data4 = jax.random.randint(ks[8], (B, 2), 0, VOCAB, dtype=jnp.int32)
    data5 = jax.random.randint(ks[9], (B, 2), 0, VOCAB, dtype=jnp.int32)
    data6 = jax.random.randint(ks[10], (B, 3), 0, REL, dtype=jnp.int32)
    return {"min_embedding": min_embedding, "delta_embedding": delta_embedding,
            "relation_embedding": relation_embedding, "scaling_embedding": scaling_embedding,
            "data0": data0, "data1": data1, "data2": data2, "data3": data3,
            "data4": data4, "data5": data5, "data6": data6}


def _box(mn, mx):
    return (mn, mx, mx - mn)


def _volumes(box):
    return jnp.prod(jax.nn.softplus(box[2] * TEMP) / TEMP, axis=1)


def _intersection(b1, b2):
    mn = jnp.maximum(b1[0], b2[0])
    mx = jnp.minimum(b1[1], b2[1])
    return _box(mn, mx)


def _log_vol(box):
    return jnp.log(jnp.clip(_volumes(box), 1e-10, 10000.0))


def _inclusion(b1, b2):
    return 1.0 - jnp.exp(_log_vol(_intersection(b1, b2)) - _log_vol(b1))


def _l2(box):
    mn, _, dl = box
    return jnp.mean(jax.nn.relu(mn + dl - 1 + EPS)) + jax.nn.relu(jnp.linalg.norm(mn) - 1)


def _forward(min_e, delta_e, rel_e, scal_e, d0, d1, d2, d3, d4, d5, d6):
    c02 = jnp.array([0, 2])
    # nf1
    i = d0[:, c02]
    mn = min_e[i]
    mx = mn + jnp.exp(delta_e[i])
    b1 = _box(mn[:, 0, :], mx[:, 0, :])
    b2 = _box(mn[:, 1, :], mx[:, 1, :])
    nf1 = _inclusion(b1, b2)
    nf1_reg = _l2(b1) + _l2(b2)
    # nf2
    mn = min_e[d1]
    mx = mn + jnp.exp(delta_e[d1])
    b1 = _box(mn[:, 0, :], mx[:, 0, :])
    b2 = _box(mn[:, 1, :], mx[:, 1, :])
    b3 = _box(mn[:, 2, :], mx[:, 2, :])
    inter = _intersection(b1, b2)
    nf2 = _inclusion(inter, b3)
    nf2_reg = _l2(inter) + _l2(b1) + _l2(b2) + _l2(b3)
    # nf3
    i = d2[:, c02]
    mn = min_e[i]
    mx = mn + jnp.exp(delta_e[i])
    rel = rel_e[d2[:, 1]]
    sc = scal_e[d2[:, 1]]
    b1 = _box(mn[:, 0, :], mx[:, 0, :])
    b2 = _box(mn[:, 1, :], mx[:, 1, :])
    tb = _box(b1[0] * (sc + EPS) + rel, b1[1] * (sc + EPS) + rel)
    nf3 = _inclusion(tb, b2)
    nf3_reg = _l2(tb) + _l2(b1) + _l2(b2)
    # nf4
    i = d3[:, 1:]
    mn = min_e[i]
    mx = mn + jnp.exp(delta_e[i])
    rel = rel_e[d3[:, 0]]
    sc = scal_e[d3[:, 0]]
    b1 = _box(mn[:, 0, :], mx[:, 0, :])
    b2 = _box(mn[:, 1, :], mx[:, 1, :])
    tb = _box((b1[0] - rel) / (sc + EPS), (b1[1] - rel) / (sc + EPS))
    nf4 = _inclusion(tb, b2)
    nf4_reg = _l2(tb) + _l2(b1) + _l2(b2)
    # disjoint
    mn = min_e[d4]
    mx = mn + jnp.exp(delta_e[d4])
    b1 = _box(mn[:, 0, :], mx[:, 0, :])
    b2 = _box(mn[:, 1, :], mx[:, 1, :])
    dj = jnp.exp(_log_vol(_intersection(b1, b2)) - (_log_vol(b1) + _log_vol(b2)))
    dj_reg = _l2(b1) + _l2(b2)
    # nf3 negative
    i = d6[:, c02]
    mn = min_e[i]
    mx = mn + jnp.exp(delta_e[i])
    rel = rel_e[d6[:, 1]]
    sc = scal_e[d6[:, 1]]
    b1 = _box(mn[:, 0, :], mx[:, 0, :])
    b2 = _box(mn[:, 1, :], mx[:, 1, :])
    tb = _box(b1[0] * (sc + EPS) + rel, b1[1] * (sc + EPS) + rel)
    nf3n = 1.0 - _inclusion(tb, b2)
    nf3n_reg = _l2(tb) + _l2(b1) + _l2(b2)
    # full-table regularizer (computed in original forward, not returned)
    _ = _l2(_box(min_e, min_e + jnp.exp(delta_e)))
    return (nf1.sum(), nf2.sum(), nf3.sum(), nf4.sum(), dj.sum(), nf3n.sum(),
            nf1_reg, nf2_reg, nf3_reg, nf4_reg, dj_reg, nf3n_reg)


def reference(min_embedding, delta_embedding, relation_embedding, scaling_embedding,
              data0, data1, data2, data3, data4, data5, data6):
    return _forward(min_embedding, delta_embedding, relation_embedding, scaling_embedding,
                    data0, data1, data2, data3, data4, data5, data6)

if __name__ == "__main__":
    import jax
    _d = setup_inputs()
    print(jax.jit(kernel)(*tuple(_d.values())))

</pallas_src>

<mosaic_0001>
#map = affine_map<(d0, d1) -> (0, 0)>
#map1 = affine_map<(d0, d1) -> (0)>
module attributes {stable_mosaic.version = 14 : i64} {
  func.func @k(%arg0: i32, %arg1: i32, %arg2: memref<1000000x128xf32, #tpu.memory_space<hbm>>, %arg3: memref<1000x128xf32, #tpu.memory_space<hbm>>, %arg4: memref<212992xi32, #tpu.memory_space<hbm>>, %arg5: memref<49152xi32, #tpu.memory_space<hbm>>, %arg6: memref<212992x128xf32, #tpu.memory_space<hbm>>, %arg7: memref<49152x128xf32, #tpu.memory_space<hbm>>, %arg8: memref<6656xi32, #tpu.memory_space<vmem>>, %arg9: memref<1536xi32, #tpu.memory_space<vmem>>, %arg10: memref<128x128xf32, #tpu.memory_space<vmem>>, %arg11: memref<128x128xf32, #tpu.memory_space<vmem>>, %arg12: memref<!tpu.dma_semaphore, #tpu.memory_space<semaphore_mem>>, %arg13: memref<!tpu.dma_semaphore, #tpu.memory_space<semaphore_mem>>) attributes {dimension_semantics = [#tpu.dimension_semantics<core_parallel>, #tpu.dimension_semantics<subcore_parallel>], iteration_bounds = array<i64: 2, 16>, scalar_prefetch = 0 : i64, scratch_operands = 6 : i64, tpu.core_type = #tpu.core_type<sc_vector_subcore>, window_params = [{transform_indices = #map}, {transform_indices = #map}, {transform_indices = #map1}, {transform_indices = #map1}, {transform_indices = #map}, {transform_indices = #map}]} {
    %mul3A = arith.constant 2 : i32
    %mul3A_0 = arith.muli %arg1, %mul3A : i32
    %add3A = arith.addi %mul3A_0, %arg0 : i32
    %mul3A_1 = arith.constant 6656 : i32
    %mul3A_2 = arith.muli %add3A, %mul3A_1 : i32
    "tpu.region"() ({
      %run_scoped3A = tpu.sem_alloc : memref<!tpu.dma_semaphore, #tpu.memory_space<semaphore_mem>>
      %dma_start3A = tpu.memref_slice %arg4[%mul3A_2] : memref<212992xi32, #tpu.memory_space<hbm>> -> memref<6656xi32, #tpu.memory_space<hbm>>
      %dma_start3A_20 = tpu.memref_slice %arg4[%mul3A_2] : memref<212992xi32, #tpu.memory_space<hbm>> -> memref<6656xi32, #tpu.memory_space<hbm>>
      tpu.enqueue_dma source(%dma_start3A_20 : memref<6656xi32, #tpu.memory_space<hbm>>) target(%arg8 : memref<6656xi32, #tpu.memory_space<vmem>>) target_semaphore(%run_scoped3A : memref<!tpu.dma_semaphore, #tpu.memory_space<semaphore_mem>>)
      %dma_wait3A = tpu.memref_slice %arg4[%mul3A_2] : memref<212992xi32, #tpu.memory_space<hbm>> -> memref<6656xi32, #tpu.memory_space<hbm>>
      %dma_wait3A_21 = tpu.memref_slice %arg4[%mul3A_2] : memref<212992xi32, #tpu.memory_space<hbm>> -> memref<6656xi32, #tpu.memory_space<hbm>>
      tpu.wait_dma2 semaphore(%run_scoped3A : memref<!tpu.dma_semaphore, #tpu.memory_space<semaphore_mem>>) src(%dma_wait3A_21 : memref<6656xi32, #tpu.memory_space<hbm>>) dst(%arg8 : memref<6656xi32, #tpu.memory_space<vmem>>)
      tpu.yield
    }) : () -> ()
    %mul3A_3 = arith.constant 1536 : i32
    %mul3A_4 = arith.muli %add3A, %mul3A_3 : i32
    "tpu.region"() ({
      %run_scoped3A = tpu.sem_alloc : memref<!tpu.dma_semaphore, #tpu.memory_space<semaphore_mem>>
      %dma_start3A = tpu.memref_slice %arg5[%mul3A_4] : memref<49152xi32, #tpu.memory_space<hbm>> -> memref<1536xi32, #tpu.memory_space<hbm>>
      %dma_start3A_20 = tpu.memref_slice %arg5[%mul3A_4] : memref<49152xi32, #tpu.memory_space<hbm>> -> memref<1536xi32, #tpu.memory_space<hbm>>
      tpu.enqueue_dma source(%dma_start3A_20 : memref<1536xi32, #tpu.memory_space<hbm>>) target(%arg9 : memref<1536xi32, #tpu.memory_space<vmem>>) target_semaphore(%run_scoped3A : memref<!tpu.dma_semaphore, #tpu.memory_space<semaphore_mem>>)
      %dma_wait3A = tpu.memref_slice %arg5[%mul3A_4] : memref<49152xi32, #tpu.memory_space<hbm>> -> memref<1536xi32, #tpu.memory_space<hbm>>
      %dma_wait3A_21 = tpu.memref_slice %arg5[%mul3A_4] : memref<49152xi32, #tpu.memory_space<hbm>> -> memref<1536xi32, #tpu.memory_space<hbm>>
      tpu.wait_dma2 semaphore(%run_scoped3A : memref<!tpu.dma_semaphore, #tpu.memory_space<semaphore_mem>>) src(%dma_wait3A_21 : memref<1536xi32, #tpu.memory_space<hbm>>) dst(%arg9 : memref<1536xi32, #tpu.memory_space<vmem>>)
      tpu.yield
    }) : () -> ()
    %mul3A_5 = arith.constant 6656 : i32
    %mul3A_6 = arith.muli %add3A, %mul3A_5 : i32
    %scan3A = arith.constant 0 : i32
    %scan3A_7 = arith.constant 0 : i32
    %scan3A_8 = arith.constant 26 : i32
    %scan3A_9 = arith.addi %scan3A_7, %scan3A_8 : i32
    %scan3A_10 = arith.constant 1 : i32
    scf.for %scan3A_20 = %scan3A_7 to %scan3A_9 step %scan3A_10  : i32 {
      %mul3A_21 = arith.constant 2 : i32
      %mul3A_22 = arith.muli %scan3A_20, %mul3A_21 : i32
      %mul3A_23 = arith.constant 128 : i32
      %mul3A_24 = arith.muli %mul3A_22, %mul3A_23 : i32
      %add3A_25 = arith.constant 128 : i32
      %add3A_26 = arith.addi %mul3A_24, %add3A_25 : i32
      %dma_start3A = tpu.memref_slice %arg8[%mul3A_24] : memref<6656xi32, #tpu.memory_space<vmem>> -> memref<128xi32, #tpu.memory_space<vmem>>
      %dma_start3A_27 = arith.constant 0 : i32
      %dma_start3A_28 = arith.constant 0 : i32
      %dma_start3A_29 = tpu.memref_slice %arg2[%dma_start3A_27, %dma_start3A_28] : memref<1000000x128xf32, #tpu.memory_space<hbm>> -> memref<1000000x128xf32, #tpu.memory_space<hbm>>
      tpu.enqueue_indirect_dma source(%dma_start3A_29 : memref<1000000x128xf32, #tpu.memory_space<hbm>>) target(%arg10 : memref<128x128xf32, #tpu.memory_space<vmem>>) offsets(%dma_start3A : memref<128xi32, #tpu.memory_space<vmem>>) semaphore(%arg12 : memref<!tpu.dma_semaphore, #tpu.memory_space<semaphore_mem>>)
      %dma_start3A_30 = tpu.memref_slice %arg8[%add3A_26] : memref<6656xi32, #tpu.memory_space<vmem>> -> memref<128xi32, #tpu.memory_space<vmem>>
      %dma_start3A_31 = arith.constant 0 : i32
      %dma_start3A_32 = arith.constant 0 : i32
      %dma_start3A_33 = tpu.memref_slice %arg2[%dma_start3A_31, %dma_start3A_32] : memref<1000000x128xf32, #tpu.memory_space<hbm>> -> memref<1000000x128xf32, #tpu.memory_space<hbm>>
      tpu.enqueue_indirect_dma source(%dma_start3A_33 : memref<1000000x128xf32, #tpu.memory_space<hbm>>) target(%arg11 : memref<128x128xf32, #tpu.memory_space<vmem>>) offsets(%dma_start3A_30 : memref<128xi32, #tpu.memory_space<vmem>>) semaphore(%arg13 : memref<!tpu.dma_semaphore, #tpu.memory_space<semaphore_mem>>)
      %dma_wait3A = tpu.memref_slice %arg8[%mul3A_24] : memref<6656xi32, #tpu.memory_space<vmem>> -> memref<128xi32, #tpu.memory_space<vmem>>
      %dma_wait3A_34 = arith.constant 0 : i32
      %dma_wait3A_35 = arith.constant 0 : i32
      %dma_wait3A_36 = tpu.memref_slice %arg2[%dma_wait3A_34, %dma_wait3A_35] : memref<1000000x128xf32, #tpu.memory_space<hbm>> -> memref<1000000x128xf32, #tpu.memory_space<hbm>>
      tpu.wait_indirect_dma semaphore(%arg12 : memref<!tpu.dma_semaphore, #tpu.memory_space<semaphore_mem>>) src(%dma_wait3A_36 : memref<1000000x128xf32, #tpu.memory_space<hbm>>) dst(%arg10 : memref<128x128xf32, #tpu.memory_space<vmem>>)
      %add3A_37 = arith.addi %mul3A_6, %mul3A_24 : i32
      "tpu.region"() ({
        %run_scoped3A = tpu.sem_alloc : memref<!tpu.dma_semaphore, #tpu.memory_space<semaphore_mem>>
        %dma_start3A_43 = arith.constant 0 : i32
        %dma_start3A_44 = tpu.memref_slice %arg6[%add3A_37, %dma_start3A_43] : memref<212992x128xf32, #tpu.memory_space<hbm>> -> memref<128x128xf32, #tpu.memory_space<hbm>>
        %dma_start3A_45 = arith.constant 0 : i32
        %dma_start3A_46 = tpu.memref_slice %arg6[%add3A_37, %dma_start3A_45] : memref<212992x128xf32, #tpu.memory_space<hbm>> -> memref<128x128xf32, #tpu.memory_space<hbm>>
        tpu.enqueue_dma source(%arg10 : memref<128x128xf32, #tpu.memory_space<vmem>>) target(%dma_start3A_46 : memref<128x128xf32, #tpu.memory_space<hbm>>) target_semaphore(%run_scoped3A : memref<!tpu.dma_semaphore, #tpu.memory_space<semaphore_mem>>)
        %dma_wait3A_47 = arith.constant 0 : i32
        %dma_wait3A_48 = tpu.memref_slice %arg6[%add3A_37, %dma_wait3A_47] : memref<212992x128xf32, #tpu.memory_space<hbm>> -> memref<128x128xf32, #tpu.memory_space<hbm>>
        %dma_wait3A_49 = arith.constant 0 : i32
        %dma_wait3A_50 = tpu.memref_slice %arg6[%add3A_37, %dma_wait3A_49] : memref<212992x128xf32, #tpu.memory_space<hbm>> -> memref<128x128xf32, #tpu.memory_space<hbm>>
        tpu.wait_dma2 semaphore(%run_scoped3A : memref<!tpu.dma_semaphore, #tpu.memory_space<semaphore_mem>>) src(%arg10 : memref<128x128xf32, #tpu.memory_space<vmem>>) dst(%dma_wait3A_50 : memref<128x128xf32, #tpu.memory_space<hbm>>)
        tpu.yield
      }) : () -> ()
      %dma_wait3A_38 = tpu.memref_slice %arg8[%add3A_26] : memref<6656xi32, #tpu.memory_space<vmem>> -> memref<128xi32, #tpu.memory_space<vmem>>
      %dma_wait3A_39 = arith.constant 0 : i32
      %dma_wait3A_40 = arith.constant 0 : i32
      %dma_wait3A_41 = tpu.memref_slice %arg2[%dma_wait3A_39, %dma_wait3A_40] : memref<1000000x128xf32, #tpu.memory_space<hbm>> -> memref<1000000x128xf32, #tpu.memory_space<hbm>>
      tpu.wait_indirect_dma semaphore(%arg13 : memref<!tpu.dma_semaphore, #tpu.memory_space<semaphore_mem>>) src(%dma_wait3A_41 : memref<1000000x128xf32, #tpu.memory_space<hbm>>) dst(%arg11 : memref<128x128xf32, #tpu.memory_space<vmem>>)
      %add3A_42 = arith.addi %mul3A_6, %add3A_26 : i32
      "tpu.region"() ({
        %run_scoped3A = tpu.sem_alloc : memref<!tpu.dma_semaphore, #tpu.memory_space<semaphore_mem>>
        %dma_start3A_43 = arith.constant 0 : i32
        %dma_start3A_44 = tpu.memref_slice %arg6[%add3A_42, %dma_start3A_43] : memref<212992x128xf32, #tpu.memory_space<hbm>> -> memref<128x128xf32, #tpu.memory_space<hbm>>
        %dma_start3A_45 = arith.constant 0 : i32
        %dma_start3A_46 = tpu.memref_slice %arg6[%add3A_42, %dma_start3A_45] : memref<212992x128xf32, #tpu.memory_space<hbm>> -> memref<128x128xf32, #tpu.memory_space<hbm>>
        tpu.enqueue_dma source(%arg11 : memref<128x128xf32, #tpu.memory_space<vmem>>) target(%dma_start3A_46 : memref<128x128xf32, #tpu.memory_space<hbm>>) target_semaphore(%run_scoped3A : memref<!tpu.dma_semaphore, #tpu.memory_space<semaphore_mem>>)
        %dma_wait3A_47 = arith.constant 0 : i32
        %dma_wait3A_48 = tpu.memref_slice %arg6[%add3A_42, %dma_wait3A_47] : memref<212992x128xf32, #tpu.memory_space<hbm>> -> memref<128x128xf32, #tpu.memory_space<hbm>>
        %dma_wait3A_49 = arith.constant 0 : i32
        %dma_wait3A_50 = tpu.memref_slice %arg6[%add3A_42, %dma_wait3A_49] : memref<212992x128xf32, #tpu.memory_space<hbm>> -> memref<128x128xf32, #tpu.memory_space<hbm>>
        tpu.wait_dma2 semaphore(%run_scoped3A : memref<!tpu.dma_semaphore, #tpu.memory_space<semaphore_mem>>) src(%arg11 : memref<128x128xf32, #tpu.memory_space<vmem>>) dst(%dma_wait3A_50 : memref<128x128xf32, #tpu.memory_space<hbm>>)
        tpu.yield
      }) : () -> ()
    }
    %scan3A_11 = arith.constant 26 : i32
    %mul3A_12 = arith.constant 1536 : i32
    %mul3A_13 = arith.muli %add3A, %mul3A_12 : i32
    %scan3A_14 = arith.constant 0 : i32
    %scan3A_15 = arith.constant 0 : i32
    %scan3A_16 = arith.constant 6 : i32
    %scan3A_17 = arith.addi %scan3A_15, %scan3A_16 : i32
    %scan3A_18 = arith.constant 1 : i32
    scf.for %scan3A_20 = %scan3A_15 to %scan3A_17 step %scan3A_18  : i32 {
      %mul3A_21 = arith.constant 2 : i32
      %mul3A_22 = arith.muli %scan3A_20, %mul3A_21 : i32
      %mul3A_23 = arith.constant 128 : i32
      %mul3A_24 = arith.muli %mul3A_22, %mul3A_23 : i32
      %add3A_25 = arith.constant 128 : i32
      %add3A_26 = arith.addi %mul3A_24, %add3A_25 : i32
      %dma_start3A = tpu.memref_slice %arg9[%mul3A_24] : memref<1536xi32, #tpu.memory_space<vmem>> -> memref<128xi32, #tpu.memory_space<vmem>>
      %dma_start3A_27 = arith.constant 0 : i32
      %dma_start3A_28 = arith.constant 0 : i32
      %dma_start3A_29 = tpu.memref_slice %arg3[%dma_start3A_27, %dma_start3A_28] : memref<1000x128xf32, #tpu.memory_space<hbm>> -> memref<1000x128xf32, #tpu.memory_space<hbm>>
      tpu.enqueue_indirect_dma source(%dma_start3A_29 : memref<1000x128xf32, #tpu.memory_space<hbm>>) target(%arg10 : memref<128x128xf32, #tpu.memory_space<vmem>>) offsets(%dma_start3A : memref<128xi32, #tpu.memory_space<vmem>>) semaphore(%arg12 : memref<!tpu.dma_semaphore, #tpu.memory_space<semaphore_mem>>)
      %dma_start3A_30 = tpu.memref_slice %arg9[%add3A_26] : memref<1536xi32, #tpu.memory_space<vmem>> -> memref<128xi32, #tpu.memory_space<vmem>>
      %dma_start3A_31 = arith.constant 0 : i32
      %dma_start3A_32 = arith.constant 0 : i32
      %dma_start3A_33 = tpu.memref_slice %arg3[%dma_start3A_31, %dma_start3A_32] : memref<1000x128xf32, #tpu.memory_space<hbm>> -> memref<1000x128xf32, #tpu.memory_space<hbm>>
      tpu.enqueue_indirect_dma source(%dma_start3A_33 : memref<1000x128xf32, #tpu.memory_space<hbm>>) target(%arg11 : memref<128x128xf32, #tpu.memory_space<vmem>>) offsets(%dma_start3A_30 : memref<128xi32, #tpu.memory_space<vmem>>) semaphore(%arg13 : memref<!tpu.dma_semaphore, #tpu.memory_space<semaphore_mem>>)
      %dma_wait3A = tpu.memref_slice %arg9[%mul3A_24] : memref<1536xi32, #tpu.memory_space<vmem>> -> memref<128xi32, #tpu.memory_space<vmem>>
      %dma_wait3A_34 = arith.constant 0 : i32
      %dma_wait3A_35 = arith.constant 0 : i32
      %dma_wait3A_36 = tpu.memref_slice %arg3[%dma_wait3A_34, %dma_wait3A_35] : memref<1000x128xf32, #tpu.memory_space<hbm>> -> memref<1000x128xf32, #tpu.memory_space<hbm>>
      tpu.wait_indirect_dma semaphore(%arg12 : memref<!tpu.dma_semaphore, #tpu.memory_space<semaphore_mem>>) src(%dma_wait3A_36 : memref<1000x128xf32, #tpu.memory_space<hbm>>) dst(%arg10 : memref<128x128xf32, #tpu.memory_space<vmem>>)
      %add3A_37 = arith.addi %mul3A_13, %mul3A_24 : i32
      "tpu.region"() ({
        %run_scoped3A = tpu.sem_alloc : memref<!tpu.dma_semaphore, #tpu.memory_space<semaphore_mem>>
        %dma_start3A_43 = arith.constant 0 : i32
        %dma_start3A_44 = tpu.memref_slice %arg7[%add3A_37, %dma_start3A_43] : memref<49152x128xf32, #tpu.memory_space<hbm>> -> memref<128x128xf32, #tpu.memory_space<hbm>>
        %dma_start3A_45 = arith.constant 0 : i32
        %dma_start3A_46 = tpu.memref_slice %arg7[%add3A_37, %dma_start3A_45] : memref<49152x128xf32, #tpu.memory_space<hbm>> -> memref<128x128xf32, #tpu.memory_space<hbm>>
        tpu.enqueue_dma source(%arg10 : memref<128x128xf32, #tpu.memory_space<vmem>>) target(%dma_start3A_46 : memref<128x128xf32, #tpu.memory_space<hbm>>) target_semaphore(%run_scoped3A : memref<!tpu.dma_semaphore, #tpu.memory_space<semaphore_mem>>)
        %dma_wait3A_47 = arith.constant 0 : i32
        %dma_wait3A_48 = tpu.memref_slice %arg7[%add3A_37, %dma_wait3A_47] : memref<49152x128xf32, #tpu.memory_space<hbm>> -> memref<128x128xf32, #tpu.memory_space<hbm>>
        %dma_wait3A_49 = arith.constant 0 : i32
        %dma_wait3A_50 = tpu.memref_slice %arg7[%add3A_37, %dma_wait3A_49] : memref<49152x128xf32, #tpu.memory_space<hbm>> -> memref<128x128xf32, #tpu.memory_space<hbm>>
        tpu.wait_dma2 semaphore(%run_scoped3A : memref<!tpu.dma_semaphore, #tpu.memory_space<semaphore_mem>>) src(%arg10 : memref<128x128xf32, #tpu.memory_space<vmem>>) dst(%dma_wait3A_50 : memref<128x128xf32, #tpu.memory_space<hbm>>)
        tpu.yield
      }) : () -> ()
      %dma_wait3A_38 = tpu.memref_slice %arg9[%add3A_26] : memref<1536xi32, #tpu.memory_space<vmem>> -> memref<128xi32, #tpu.memory_space<vmem>>
      %dma_wait3A_39 = arith.constant 0 : i32
      %dma_wait3A_40 = arith.constant 0 : i32
      %dma_wait3A_41 = tpu.memref_slice %arg3[%dma_wait3A_39, %dma_wait3A_40] : memref<1000x128xf32, #tpu.memory_space<hbm>> -> memref<1000x128xf32, #tpu.memory_space<hbm>>
      tpu.wait_indirect_dma semaphore(%arg13 : memref<!tpu.dma_semaphore, #tpu.memory_space<semaphore_mem>>) src(%dma_wait3A_41 : memref<1000x128xf32, #tpu.memory_space<hbm>>) dst(%arg11 : memref<128x128xf32, #tpu.memory_space<vmem>>)
      %add3A_42 = arith.addi %mul3A_13, %add3A_26 : i32
      "tpu.region"() ({
        %run_scoped3A = tpu.sem_alloc : memref<!tpu.dma_semaphore, #tpu.memory_space<semaphore_mem>>
        %dma_start3A_43 = arith.constant 0 : i32
        %dma_start3A_44 = tpu.memref_slice %arg7[%add3A_42, %dma_start3A_43] : memref<49152x128xf32, #tpu.memory_space<hbm>> -> memref<128x128xf32, #tpu.memory_space<hbm>>
        %dma_start3A_45 = arith.constant 0 : i32
        %dma_start3A_46 = tpu.memref_slice %arg7[%add3A_42, %dma_start3A_45] : memref<49152x128xf32, #tpu.memory_space<hbm>> -> memref<128x128xf32, #tpu.memory_space<hbm>>
        tpu.enqueue_dma source(%arg11 : memref<128x128xf32, #tpu.memory_space<vmem>>) target(%dma_start3A_46 : memref<128x128xf32, #tpu.memory_space<hbm>>) target_semaphore(%run_scoped3A : memref<!tpu.dma_semaphore, #tpu.memory_space<semaphore_mem>>)
        %dma_wait3A_47 = arith.constant 0 : i32
        %dma_wait3A_48 = tpu.memref_slice %arg7[%add3A_42, %dma_wait3A_47] : memref<49152x128xf32, #tpu.memory_space<hbm>> -> memref<128x128xf32, #tpu.memory_space<hbm>>
        %dma_wait3A_49 = arith.constant 0 : i32
        %dma_wait3A_50 = tpu.memref_slice %arg7[%add3A_42, %dma_wait3A_49] : memref<49152x128xf32, #tpu.memory_space<hbm>> -> memref<128x128xf32, #tpu.memory_space<hbm>>
        tpu.wait_dma2 semaphore(%run_scoped3A : memref<!tpu.dma_semaphore, #tpu.memory_space<semaphore_mem>>) src(%arg11 : memref<128x128xf32, #tpu.memory_space<vmem>>) dst(%dma_wait3A_50 : memref<128x128xf32, #tpu.memory_space<hbm>>)
        tpu.yield
      }) : () -> ()
    }
    %scan3A_19 = arith.constant 6 : i32
    return
  }
}

module attributes {stable_mosaic.version = 14 : i64} {
  func.func @_reformat_body(%arg0: i32, %arg1: memref<64x4096xf32, #tpu.memory_space<vmem>>, %arg2: memref<64x4096xf32, #tpu.memory_space<vmem>>, %arg3: memref<4096x128xf32, #tpu.memory_space<vmem>>) attributes {dimension_semantics = [#tpu.dimension_semantics<arbitrary>], iteration_bounds = array<i64: 245>, scalar_prefetch = 0 : i64, scratch_operands = 0 : i64, tpu.core_type = #tpu.core_type<tc>, window_params = [{transform_indices = @transform_0, window_bounds = array<i64: 64, 4096>}, {transform_indices = @transform_1, window_bounds = array<i64: 64, 4096>}, {transform_indices = @transform_2, window_bounds = array<i64: 4096, 128>}]} {
    %iota3A = tpu.iota {dimensions = array<i32: 0>} : vector<64x64xi32>
    %iota3A_0 = tpu.iota {dimensions = array<i32: 1>} : vector<64x64xi32>
    %add3A = arith.constant 0 : i32
    %add3A_1 = vector.broadcast %add3A : i32 to vector<64x64xi32>
    %add3A_2 = arith.addi %iota3A, %add3A_1 : vector<64x64xi32>
    %eq3A = arith.cmpi eq, %add3A_2, %iota3A_0 : vector<64x64xi32>
    %convert_element_type3A = arith.extui %eq3A : vector<64x64xi1> to vector<64x64xi32>
    %convert_element_type3A_3 = arith.sitofp %convert_element_type3A : vector<64x64xi32> to vector<64x64xf32>
    %get3A = arith.constant 0 : index
    %get3A_4 = arith.constant 0 : index
    %get3A_5 = vector.load %arg1[%get3A, %get3A_4] : memref<64x4096xf32, #tpu.memory_space<vmem>>, vector<64x4096xf32>
    %dot_general3A = arith.constant dense<0.000000e+00> : vector<4096x64xf32>
    %dot_general3A_6 = tpu.matmul %get3A_5, %convert_element_type3A_3, %dot_general3A {dimension_numbers = #tpu.dot_dimension_numbers<[0], [0], [1], [1], [0, 1, 1, 1], [], []>, transpose_lhs_hint = false} : vector<64x4096xf32>, vector<64x64xf32>, vector<4096x64xf32> -> vector<4096x64xf32>
    %get3A_7 = arith.constant 0 : index
    %get3A_8 = arith.constant 0 : index
    %get3A_9 = vector.load %arg2[%get3A_7, %get3A_8] : memref<64x4096xf32, #tpu.memory_space<vmem>>, vector<64x4096xf32>
    %dot_general3A_10 = arith.constant dense<0.000000e+00> : vector<4096x64xf32>
    %dot_general3A_11 = tpu.matmul %get3A_9, %convert_element_type3A_3, %dot_general3A_10 {dimension_numbers = #tpu.dot_dimension_numbers<[0], [0], [1], [1], [0, 1, 1, 1], [], []>, transpose_lhs_hint = false} : vector<64x4096xf32>, vector<64x64xf32>, vector<4096x64xf32> -> vector<4096x64xf32>
    %concatenate3A = tpu.concatenate %dot_general3A_6, %dot_general3A_11 in 1 : vector<4096x64xf32>, vector<4096x64xf32> -> vector<4096x128xf32>
    %swap3A = arith.constant 0 : index
    %swap3A_12 = arith.constant 0 : index
    %swap3A_13 = vector.load %arg3[%swap3A, %swap3A_12] : memref<4096x128xf32, #tpu.memory_space<vmem>>, vector<4096x128xf32>
    tpu.vector_store %arg3[%swap3A, %swap3A_12], %concatenate3A {strides = array<i32>} : memref<4096x128xf32, #tpu.memory_space<vmem>>, vector<4096x128xf32>,
    return
  }
  func.func @transform_0(%arg0: i32) -> (i32, i32) {
    %c0_i32 = arith.constant 0 : i32
    %c0_i32_0 = arith.constant 0 : i32
    return %c0_i32, %arg0 : i32, i32
  }
  func.func @transform_1(%arg0: i32) -> (i32, i32) {
    %c0_i32 = arith.constant 0 : i32
    %c0_i32_0 = arith.constant 0 : i32
    return %c0_i32, %arg0 : i32, i32
  }
  func.func @transform_2(%arg0: i32) -> (i32, i32) {
    %c0_i32 = arith.constant 0 : i32
    %c0_i32_0 = arith.constant 0 : i32
    return %arg0, %c0_i32 : i32, i32
  }
}

module attributes {stable_mosaic.version = 14 : i64} {
  func.func @_compute_body(%arg0: i32, %arg1: memref<13x1024x128xf32, #tpu.memory_space<vmem>>, %arg2: memref<3x1024x128xf32, #tpu.memory_space<vmem>>, %arg3: memref<128xf32, #tpu.memory_space<vmem>>) attributes {dimension_semantics = [#tpu.dimension_semantics<arbitrary>], iteration_bounds = array<i64: 16>, scalar_prefetch = 0 : i64, scratch_operands = 0 : i64, tpu.core_type = #tpu.core_type<tc>, window_params = [{transform_indices = @transform_0, window_bounds = array<i64: 13, 1024, 128>}, {transform_indices = @transform_1, window_bounds = array<i64: 3, 1024, 128>}, {pipeline_mode = #tpu.pipeline_mode<synchronous>, transform_indices = @transform_2, window_bounds = array<i64: 128>}]} {
    %get3A = arith.constant 0 : index
    %get3A_0 = arith.constant 0 : index
    %get3A_1 = arith.constant 0 : index
    %get3A_2 = vector.load %arg1[%get3A, %get3A_0, %get3A_1] : memref<13x1024x128xf32, #tpu.memory_space<vmem>>, vector<13x1024x128xf32>
    %slice3A = vector.extract_strided_slice %get3A_2 {offsets = [0, 0, 0], sizes = [13, 1024, 64], strides = [1, 1, 1]} : vector<13x1024x128xf32> to vector<13x1024x64xf32>
    %slice3A_3 = vector.extract_strided_slice %get3A_2 {offsets = [0, 0, 64], sizes = [13, 1024, 64], strides = [1, 1, 1]} : vector<13x1024x128xf32> to vector<13x1024x64xf32>
    %exp3A = math.exp %slice3A_3 : vector<13x1024x64xf32>
    %add3A = arith.addf %slice3A, %exp3A : vector<13x1024x64xf32>
    %get3A_4 = arith.constant 0 : index
    %get3A_5 = arith.constant 0 : index
    %get3A_6 = arith.constant 0 : index
    %get3A_7 = vector.load %arg2[%get3A_4, %get3A_5, %get3A_6] : memref<3x1024x128xf32, #tpu.memory_space<vmem>>, vector<3x1024x128xf32>
    %slice3A_8 = vector.extract_strided_slice %get3A_7 {offsets = [0, 0, 0], sizes = [3, 1024, 64], strides = [1, 1, 1]} : vector<3x1024x128xf32> to vector<3x1024x64xf32>
    %slice3A_9 = vector.extract_strided_slice %get3A_7 {offsets = [0, 0, 64], sizes = [3, 1024, 64], strides = [1, 1, 1]} : vector<3x1024x128xf32> to vector<3x1024x64xf32>
    %add3A_10 = arith.constant 9.99999993E-9 : f32
    %add3A_11 = vector.broadcast %add3A_10 : f32 to vector<3x1024x64xf32>
    %add3A_12 = arith.addf %slice3A_9, %add3A_11 : vector<3x1024x64xf32>
    %slice3A_13 = vector.extract_strided_slice %slice3A {offsets = [0, 0, 0], sizes = [1, 1024, 64], strides = [1, 1, 1]} : vector<13x1024x64xf32> to vector<1x1024x64xf32>
    %squeeze3A = vector.shape_cast %slice3A_13 : vector<1x1024x64xf32> to vector<1024x64xf32>
    %slice3A_14 = vector.extract_strided_slice %add3A {offsets = [0, 0, 0], sizes = [1, 1024, 64], strides = [1, 1, 1]} : vector<13x1024x64xf32> to vector<1x1024x64xf32>
    %squeeze3A_15 = vector.shape_cast %slice3A_14 : vector<1x1024x64xf32> to vector<1024x64xf32>
    %slice3A_16 = vector.extract_strided_slice %slice3A {offsets = [1, 0, 0], sizes = [1, 1024, 64], strides = [1, 1, 1]} : vector<13x1024x64xf32> to vector<1x1024x64xf32>
    %squeeze3A_17 = vector.shape_cast %slice3A_16 : vector<1x1024x64xf32> to vector<1024x64xf32>
    %slice3A_18 = vector.extract_strided_slice %add3A {offsets = [1, 0, 0], sizes = [1, 1024, 64], strides = [1, 1, 1]} : vector<13x1024x64xf32> to vector<1x1024x64xf32>
    %squeeze3A_19 = vector.shape_cast %slice3A_18 : vector<1x1024x64xf32> to vector<1024x64xf32>
    %min3A = arith.minimumf %squeeze3A_15, %squeeze3A_19 : vector<1024x64xf32>
    %max3A = arith.maximumf %squeeze3A, %squeeze3A_17 : vector<1024x64xf32>
    %sub3A = arith.subf %min3A, %max3A : vector<1024x64xf32>
    %max3A_20 = arith.constant 0.000000e+00 : f32
    %max3A_21 = vector.broadcast %max3A_20 : f32 to vector<1024x64xf32>
    %max3A_22 = arith.maximumf %sub3A, %max3A_21 : vector<1024x64xf32>
    %abs3A = math.absf %sub3A : vector<1024x64xf32>
    %neg3A = arith.constant 0.000000e+00 : f32
    %neg3A_23 = vector.broadcast %neg3A : f32 to vector<1024x64xf32>
    %neg3A_24 = arith.subf %neg3A_23, %abs3A : vector<1024x64xf32>
    %exp3A_25 = math.exp %neg3A_24 : vector<1024x64xf32>
    %log1p3A = math.log1p %exp3A_25 : vector<1024x64xf32>
    %add3A_26 = arith.addf %max3A_22, %log1p3A : vector<1024x64xf32>
    %log3A = math.log %add3A_26 : vector<1024x64xf32>
    %reduce_sum3A = arith.constant dense<0.000000e+00> : vector<1024xf32>
    %reduce_sum3A_27 = vector.multi_reduction <add>, %log3A, %reduce_sum3A [1] : vector<1024x64xf32> to vector<1024xf32>
    %jit3A = arith.constant -23.0258503 : f32
    %jit3A_28 = arith.constant 9.21034049 : f32
    %max3A_29 = vector.broadcast %jit3A : f32 to vector<1024xf32>
    %max3A_30 = arith.maximumf %max3A_29, %reduce_sum3A_27 : vector<1024xf32>
    %min3A_31 = vector.broadcast %jit3A_28 : f32 to vector<1024xf32>
    %min3A_32 = arith.minimumf %min3A_31, %max3A_30 : vector<1024xf32>
    %sub3A_33 = arith.subf %squeeze3A_15, %squeeze3A : vector<1024x64xf32>
    %max3A_34 = arith.constant 0.000000e+00 : f32
    %max3A_35 = vector.broadcast %max3A_34 : f32 to vector<1024x64xf32>
    %max3A_36 = arith.maximumf %sub3A_33, %max3A_35 : vector<1024x64xf32>
    %abs3A_37 = math.absf %sub3A_33 : vector<1024x64xf32>
    %neg3A_38 = arith.constant 0.000000e+00 : f32
    %neg3A_39 = vector.broadcast %neg3A_38 : f32 to vector<1024x64xf32>
    %neg3A_40 = arith.subf %neg3A_39, %abs3A_37 : vector<1024x64xf32>
    %exp3A_41 = math.exp %neg3A_40 : vector<1024x64xf32>
    %log1p3A_42 = math.log1p %exp3A_41 : vector<1024x64xf32>
    %add3A_43 = arith.addf %max3A_36, %log1p3A_42 : vector<1024x64xf32>
    %log3A_44 = math.log %add3A_43 : vector<1024x64xf32>
    %reduce_sum3A_45 = arith.constant dense<0.000000e+00> : vector<1024xf32>
    %reduce_sum3A_46 = vector.multi_reduction <add>, %log3A_44, %reduce_sum3A_45 [1] : vector<1024x64xf32> to vector<1024xf32>
    %jit3A_47 = arith.constant -23.0258503 : f32
    %jit3A_48 = arith.constant 9.21034049 : f32
    %max3A_49 = vector.broadcast %jit3A_47 : f32 to vector<1024xf32>
    %max3A_50 = arith.maximumf %max3A_49, %reduce_sum3A_46 : vector<1024xf32>
    %min3A_51 = vector.broadcast %jit3A_48 : f32 to vector<1024xf32>
    %min3A_52 = arith.minimumf %min3A_51, %max3A_50 : vector<1024xf32>
    %sub3A_53 = arith.subf %min3A_32, %min3A_52 : vector<1024xf32>
    %exp3A_54 = math.exp %sub3A_53 : vector<1024xf32>
    %sub3A_55 = arith.constant 1.000000e+00 : f32
    %sub3A_56 = vector.broadcast %sub3A_55 : f32 to vector<1024xf32>
    %sub3A_57 = arith.subf %sub3A_56, %exp3A_54 : vector<1024xf32>
    %reduce_sum3A_58 = vector.shape_cast %sub3A_57 : vector<1024xf32> to vector<1x1024xf32>
    %reduce_sum3A_59 = arith.constant dense<0.000000e+00> : vector<1xf32>
    %reduce_sum3A_60 = vector.multi_reduction <add>, %reduce_sum3A_58, %reduce_sum3A_59 [1] : vector<1x1024xf32> to vector<1xf32>
    %reduce_sum3A_61 = vector.shape_cast %reduce_sum3A_60 : vector<1xf32> to vector<1x1xf32>
    %reduce_sum3A_62 = vector.extract %reduce_sum3A_61[0, 0] : f32 from vector<1x1xf32>
    %sub3A_63 = arith.constant 1.000000e+00 : f32
    %sub3A_64 = vector.broadcast %sub3A_63 : f32 to vector<1024x64xf32>
    %sub3A_65 = arith.subf %squeeze3A_15, %sub3A_64 : vector<1024x64xf32>
    %add3A_66 = arith.constant 9.99999993E-9 : f32
    %add3A_67 = vector.broadcast %add3A_66 : f32 to vector<1024x64xf32>
    %add3A_68 = arith.addf %sub3A_65, %add3A_67 : vector<1024x64xf32>
    %max3A_69 = arith.constant 0.000000e+00 : f32
    %max3A_70 = vector.broadcast %max3A_69 : f32 to vector<1024x64xf32>
    %max3A_71 = arith.maximumf %add3A_68, %max3A_70 : vector<1024x64xf32>
    %reduce_sum3A_72 = vector.shape_cast %max3A_71 : vector<1024x64xf32> to vector<1x1024x64xf32>
    %reduce_sum3A_73 = arith.constant dense<0.000000e+00> : vector<1xf32>
    %reduce_sum3A_74 = vector.multi_reduction <add>, %reduce_sum3A_72, %reduce_sum3A_73 [1, 2] : vector<1x1024x64xf32> to vector<1xf32>
    %reduce_sum3A_75 = vector.shape_cast %reduce_sum3A_74 : vector<1xf32> to vector<1x1x1xf32>
    %reduce_sum3A_76 = vector.extract %reduce_sum3A_75[0, 0, 0] : f32 from vector<1x1x1xf32>
    %mul3A = arith.mulf %squeeze3A, %squeeze3A : vector<1024x64xf32>
    %reduce_sum3A_77 = vector.shape_cast %mul3A : vector<1024x64xf32> to vector<1x1024x64xf32>
    %reduce_sum3A_78 = arith.constant dense<0.000000e+00> : vector<1xf32>
    %reduce_sum3A_79 = vector.multi_reduction <add>, %reduce_sum3A_77, %reduce_sum3A_78 [1, 2] : vector<1x1024x64xf32> to vector<1xf32>
    %reduce_sum3A_80 = vector.shape_cast %reduce_sum3A_79 : vector<1xf32> to vector<1x1x1xf32>
    %reduce_sum3A_81 = vector.extract %reduce_sum3A_80[0, 0, 0] : f32 from vector<1x1x1xf32>
    %sub3A_82 = arith.constant 1.000000e+00 : f32
    %sub3A_83 = vector.broadcast %sub3A_82 : f32 to vector<1024x64xf32>
    %sub3A_84 = arith.subf %squeeze3A_19, %sub3A_83 : vector<1024x64xf32>
    %add3A_85 = arith.constant 9.99999993E-9 : f32
    %add3A_86 = vector.broadcast %add3A_85 : f32 to vector<1024x64xf32>
    %add3A_87 = arith.addf %sub3A_84, %add3A_86 : vector<1024x64xf32>
    %max3A_88 = arith.constant 0.000000e+00 : f32
    %max3A_89 = vector.broadcast %max3A_88 : f32 to vector<1024x64xf32>
    %max3A_90 = arith.maximumf %add3A_87, %max3A_89 : vector<1024x64xf32>
    %reduce_sum3A_91 = vector.shape_cast %max3A_90 : vector<1024x64xf32> to vector<1x1024x64xf32>
    %reduce_sum3A_92 = arith.constant dense<0.000000e+00> : vector<1xf32>
    %reduce_sum3A_93 = vector.multi_reduction <add>, %reduce_sum3A_91, %reduce_sum3A_92 [1, 2] : vector<1x1024x64xf32> to vector<1xf32>
    %reduce_sum3A_94 = vector.shape_cast %reduce_sum3A_93 : vector<1xf32> to vector<1x1x1xf32>
    %reduce_sum3A_95 = vector.extract %reduce_sum3A_94[0, 0, 0] : f32 from vector<1x1x1xf32>
    %mul3A_96 = arith.mulf %squeeze3A_17, %squeeze3A_17 : vector<1024x64xf32>
    %reduce_sum3A_97 = vector.shape_cast %mul3A_96 : vector<1024x64xf32> to vector<1x1024x64xf32>
    %reduce_sum3A_98 = arith.constant dense<0.000000e+00> : vector<1xf32>
    %reduce_sum3A_99 = vector.multi_reduction <add>, %reduce_sum3A_97, %reduce_sum3A_98 [1, 2] : vector<1x1024x64xf32> to vector<1xf32>
    %reduce_sum3A_100 = vector.shape_cast %reduce_sum3A_99 : vector<1xf32> to vector<1x1x1xf32>
    %reduce_sum3A_101 = vector.extract %reduce_sum3A_100[0, 0, 0] : f32 from vector<1x1x1xf32>
    %slice3A_102 = vector.extract_strided_slice %slice3A {offsets = [2, 0, 0], sizes = [1, 1024, 64], strides = [1, 1, 1]} : vector<13x1024x64xf32> to vector<1x1024x64xf32>
    %squeeze3A_103 = vector.shape_cast %slice3A_102 : vector<1x1024x64xf32> to vector<1024x64xf32>
    %slice3A_104 = vector.extract_strided_slice %add3A {offsets = [2, 0, 0], sizes = [1, 1024, 64], strides = [1, 1, 1]} : vector<13x1024x64xf32> to vector<1x1024x64xf32>
    %squeeze3A_105 = vector.shape_cast %slice3A_104 : vector<1x1024x64xf32> to vector<1024x64xf32>
    %slice3A_106 = vector.extract_strided_slice %slice3A {offsets = [3, 0, 0], sizes = [1, 1024, 64], strides = [1, 1, 1]} : vector<13x1024x64xf32> to vector<1x1024x64xf32>
    %squeeze3A_107 = vector.shape_cast %slice3A_106 : vector<1x1024x64xf32> to vector<1024x64xf32>
    %slice3A_108 = vector.extract_strided_slice %add3A {offsets = [3, 0, 0], sizes = [1, 1024, 64], strides = [1, 1, 1]} : vector<13x1024x64xf32> to vector<1x1024x64xf32>
    %squeeze3A_109 = vector.shape_cast %slice3A_108 : vector<1x1024x64xf32> to vector<1024x64xf32>
    %slice3A_110 = vector.extract_strided_slice %slice3A {offsets = [4, 0, 0], sizes = [1, 1024, 64], strides = [1, 1, 1]} : vector<13x1024x64xf32> to vector<1x1024x64xf32>
    %squeeze3A_111 = vector.shape_cast %slice3A_110 : vector<1x1024x64xf32> to vector<1024x64xf32>
    %slice3A_112 = vector.extract_strided_slice %add3A {offsets = [4, 0, 0], sizes = [1, 1024, 64], strides = [1, 1, 1]} : vector<13x1024x64xf32> to vector<1x1024x64xf32>
    %squeeze3A_113 = vector.shape_cast %slice3A_112 : vector<1x1024x64xf32> to vector<1024x64xf32>
    %max3A_114 = arith.maximumf %squeeze3A_103, %squeeze3A_107 : vector<1024x64xf32>
    %min3A_115 = arith.minimumf %squeeze3A_105, %squeeze3A_109 : vector<1024x64xf32>
    %min3A_116 = arith.minimumf %min3A_115, %squeeze3A_113 : vector<1024x64xf32>
    %max3A_117 = arith.maximumf %max3A_114, %squeeze3A_111 : vector<1024x64xf32>
    %sub3A_118 = arith.subf %min3A_116, %max3A_117 : vector<1024x64xf32>
    %max3A_119 = arith.constant 0.000000e+00 : f32
    %max3A_120 = vector.broadcast %max3A_119 : f32 to vector<1024x64xf32>
    %max3A_121 = arith.maximumf %sub3A_118, %max3A_120 : vector<1024x64xf32>
    %abs3A_122 = math.absf %sub3A_118 : vector<1024x64xf32>
    %neg3A_123 = arith.constant 0.000000e+00 : f32
    %neg3A_124 = vector.broadcast %neg3A_123 : f32 to vector<1024x64xf32>
    %neg3A_125 = arith.subf %neg3A_124, %abs3A_122 : vector<1024x64xf32>
    %exp3A_126 = math.exp %neg3A_125 : vector<1024x64xf32>
    %log1p3A_127 = math.log1p %exp3A_126 : vector<1024x64xf32>
    %add3A_128 = arith.addf %max3A_121, %log1p3A_127 : vector<1024x64xf32>
    %log3A_129 = math.log %add3A_128 : vector<1024x64xf32>
    %reduce_sum3A_130 = arith.constant dense<0.000000e+00> : vector<1024xf32>
    %reduce_sum3A_131 = vector.multi_reduction <add>, %log3A_129, %reduce_sum3A_130 [1] : vector<1024x64xf32> to vector<1024xf32>
    %jit3A_132 = arith.constant -23.0258503 : f32
    %jit3A_133 = arith.constant 9.21034049 : f32
    %max3A_134 = vector.broadcast %jit3A_132 : f32 to vector<1024xf32>
    %max3A_135 = arith.maximumf %max3A_134, %reduce_sum3A_131 : vector<1024xf32>
    %min3A_136 = vector.broadcast %jit3A_133 : f32 to vector<1024xf32>
    %min3A_137 = arith.minimumf %min3A_136, %max3A_135 : vector<1024xf32>
    %sub3A_138 = arith.subf %min3A_115, %max3A_114 : vector<1024x64xf32>
    %max3A_139 = arith.constant 0.000000e+00 : f32
    %max3A_140 = vector.broadcast %max3A_139 : f32 to vector<1024x64xf32>
    %max3A_141 = arith.maximumf %sub3A_138, %max3A_140 : vector<1024x64xf32>
    %abs3A_142 = math.absf %sub3A_138 : vector<1024x64xf32>
    %neg3A_143 = arith.constant 0.000000e+00 : f32
    %neg3A_144 = vector.broadcast %neg3A_143 : f32 to vector<1024x64xf32>
    %neg3A_145 = arith.subf %neg3A_144, %abs3A_142 : vector<1024x64xf32>
    %exp3A_146 = math.exp %neg3A_145 : vector<1024x64xf32>
    %log1p3A_147 = math.log1p %exp3A_146 : vector<1024x64xf32>
    %add3A_148 = arith.addf %max3A_141, %log1p3A_147 : vector<1024x64xf32>
    %log3A_149 = math.log %add3A_148 : vector<1024x64xf32>
    %reduce_sum3A_150 = arith.constant dense<0.000000e+00> : vector<1024xf32>
    %reduce_sum3A_151 = vector.multi_reduction <add>, %log3A_149, %reduce_sum3A_150 [1] : vector<1024x64xf32> to vector<1024xf32>
    %jit3A_152 = arith.constant -23.0258503 : f32
    %jit3A_153 = arith.constant 9.21034049 : f32
    %max3A_154 = vector.broadcast %jit3A_152 : f32 to vector<1024xf32>
    %max3A_155 = arith.maximumf %max3A_154, %reduce_sum3A_151 : vector<1024xf32>
    %min3A_156 = vector.broadcast %jit3A_153 : f32 to vector<1024xf32>
    %min3A_157 = arith.minimumf %min3A_156, %max3A_155 : vector<1024xf32>
    %sub3A_158 = arith.subf %min3A_137, %min3A_157 : vector<1024xf32>
    %exp3A_159 = math.exp %sub3A_158 : vector<1024xf32>
    %sub3A_160 = arith.constant 1.000000e+00 : f32
    %sub3A_161 = vector.broadcast %sub3A_160 : f32 to vector<1024xf32>
    %sub3A_162 = arith.subf %sub3A_161, %exp3A_159 : vector<1024xf32>
    %reduce_sum3A_163 = vector.shape_cast %sub3A_162 : vector<1024xf32> to vector<1x1024xf32>
    %reduce_sum3A_164 = arith.constant dense<0.000000e+00> : vector<1xf32>
    %reduce_sum3A_165 = vector.multi_reduction <add>, %reduce_sum3A_163, %reduce_sum3A_164 [1] : vector<1x1024xf32> to vector<1xf32>
    %reduce_sum3A_166 = vector.shape_cast %reduce_sum3A_165 : vector<1xf32> to vector<1x1xf32>
    %reduce_sum3A_167 = vector.extract %reduce_sum3A_166[0, 0] : f32 from vector<1x1xf32>
    %sub3A_168 = arith.constant 1.000000e+00 : f32
    %sub3A_169 = vector.broadcast %sub3A_168 : f32 to vector<1024x64xf32>
    %sub3A_170 = arith.subf %min3A_115, %sub3A_169 : vector<1024x64xf32>
    %add3A_171 = arith.constant 9.99999993E-9 : f32
    %add3A_172 = vector.broadcast %add3A_171 : f32 to vector<1024x64xf32>
    %add3A_173 = arith.addf %sub3A_170, %add3A_172 : vector<1024x64xf32>
    %max3A_174 = arith.constant 0.000000e+00 : f32
    %max3A_175 = vector.broadcast %max3A_174 : f32 to vector<1024x64xf32>
    %max3A_176 = arith.maximumf %add3A_173, %max3A_175 : vector<1024x64xf32>
    %reduce_sum3A_177 = vector.shape_cast %max3A_176 : vector<1024x64xf32> to vector<1x1024x64xf32>
    %reduce_sum3A_178 = arith.constant dense<0.000000e+00> : vector<1xf32>
    %reduce_sum3A_179 = vector.multi_reduction <add>, %reduce_sum3A_177, %reduce_sum3A_178 [1, 2] : vector<1x1024x64xf32> to vector<1xf32>
    %reduce_sum3A_180 = vector.shape_cast %reduce_sum3A_179 : vector<1xf32> to vector<1x1x1xf32>
    %reduce_sum3A_181 = vector.extract %reduce_sum3A_180[0, 0, 0] : f32 from vector<1x1x1xf32>
    %mul3A_182 = arith.mulf %max3A_114, %max3A_114 : vector<1024x64xf32>
    %reduce_sum3A_183 = vector.shape_cast %mul3A_182 : vector<1024x64xf32> to vector<1x1024x64xf32>
    %reduce_sum3A_184 = arith.constant dense<0.000000e+00> : vector<1xf32>
    %reduce_sum3A_185 = vector.multi_reduction <add>, %reduce_sum3A_183, %reduce_sum3A_184 [1, 2] : vector<1x1024x64xf32> to vector<1xf32>
    %reduce_sum3A_186 = vector.shape_cast %reduce_sum3A_185 : vector<1xf32> to vector<1x1x1xf32>
    %reduce_sum3A_187 = vector.extract %reduce_sum3A_186[0, 0, 0] : f32 from vector<1x1x1xf32>
    %sub3A_188 = arith.constant 1.000000e+00 : f32
    %sub3A_189 = vector.broadcast %sub3A_188 : f32 to vector<1024x64xf32>
    %sub3A_190 = arith.subf %squeeze3A_105, %sub3A_189 : vector<1024x64xf32>
    %add3A_191 = arith.constant 9.99999993E-9 : f32
    %add3A_192 = vector.broadcast %add3A_191 : f32 to vector<1024x64xf32>
    %add3A_193 = arith.addf %sub3A_190, %add3A_192 : vector<1024x64xf32>
    %max3A_194 = arith.constant 0.000000e+00 : f32
    %max3A_195 = vector.broadcast %max3A_194 : f32 to vector<1024x64xf32>
    %max3A_196 = arith.maximumf %add3A_193, %max3A_195 : vector<1024x64xf32>
    %reduce_sum3A_197 = vector.shape_cast %max3A_196 : vector<1024x64xf32> to vector<1x1024x64xf32>
    %reduce_sum3A_198 = arith.constant dense<0.000000e+00> : vector<1xf32>
    %reduce_sum3A_199 = vector.multi_reduction <add>, %reduce_sum3A_197, %reduce_sum3A_198 [1, 2] : vector<1x1024x64xf32> to vector<1xf32>
    %reduce_sum3A_200 = vector.shape_cast %reduce_sum3A_199 : vector<1xf32> to vector<1x1x1xf32>
    %reduce_sum3A_201 = vector.extract %reduce_sum3A_200[0, 0, 0] : f32 from vector<1x1x1xf32>
    %mul3A_202 = arith.mulf %squeeze3A_103, %squeeze3A_103 : vector<1024x64xf32>
    %reduce_sum3A_203 = vector.shape_cast %mul3A_202 : vector<1024x64xf32> to vector<1x1024x64xf32>
    %reduce_sum3A_204 = arith.constant dense<0.000000e+00> : vector<1xf32>
    %reduce_sum3A_205 = vector.multi_reduction <add>, %reduce_sum3A_203, %reduce_sum3A_204 [1, 2] : vector<1x1024x64xf32> to vector<1xf32>
    %reduce_sum3A_206 = vector.shape_cast %reduce_sum3A_205 : vector<1xf32> to vector<1x1x1xf32>
    %reduce_sum3A_207 = vector.extract %reduce_sum3A_206[0, 0, 0] : f32 from vector<1x1x1xf32>
    %sub3A_208 = arith.constant 1.000000e+00 : f32
    %sub3A_209 = vector.broadcast %sub3A_208 : f32 to vector<1024x64xf32>
    %sub3A_210 = arith.subf %squeeze3A_109, %sub3A_209 : vector<1024x64xf32>
    %add3A_211 = arith.constant 9.99999993E-9 : f32
    %add3A_212 = vector.broadcast %add3A_211 : f32 to vector<1024x64xf32>
    %add3A_213 = arith.addf %sub3A_210, %add3A_212 : vector<1024x64xf32>
    %max3A_214 = arith.constant 0.000000e+00 : f32
    %max3A_215 = vector.broadcast %max3A_214 : f32 to vector<1024x64xf32>
    %max3A_216 = arith.maximumf %add3A_213, %max3A_215 : vector<1024x64xf32>
    %reduce_sum3A_217 = vector.shape_cast %max3A_216 : vector<1024x64xf32> to vector<1x1024x64xf32>
    %reduce_sum3A_218 = arith.constant dense<0.000000e+00> : vector<1xf32>
    %reduce_sum3A_219 = vector.multi_reduction <add>, %reduce_sum3A_217, %reduce_sum3A_218 [1, 2] : vector<1x1024x64xf32> to vector<1xf32>
    %reduce_sum3A_220 = vector.shape_cast %reduce_sum3A_219 : vector<1xf32> to vector<1x1x1xf32>
    %reduce_sum3A_221 = vector.extract %reduce_sum3A_220[0, 0, 0] : f32 from vector<1x1x1xf32>
    %mul3A_222 = arith.mulf %squeeze3A_107, %squeeze3A_107 : vector<1024x64xf32>
    %reduce_sum3A_223 = vector.shape_cast %mul3A_222 : vector<1024x64xf32> to vector<1x1024x64xf32>
    %reduce_sum3A_224 = arith.constant dense<0.000000e+00> : vector<1xf32>
    %reduce_sum3A_225 = vector.multi_reduction <add>, %reduce_sum3A_223, %reduce_sum3A_224 [1, 2] : vector<1x1024x64xf32> to vector<1xf32>
    %reduce_sum3A_226 = vector.shape_cast %reduce_sum3A_225 : vector<1xf32> to vector<1x1x1xf32>
    %reduce_sum3A_227 = vector.extract %reduce_sum3A_226[0, 0, 0] : f32 from vector<1x1x1xf32>
    %sub3A_228 = arith.constant 1.000000e+00 : f32
    %sub3A_229 = vector.broadcast %sub3A_228 : f32 to vector<1024x64xf32>
    %sub3A_230 = arith.subf %squeeze3A_113, %sub3A_229 : vector<1024x64xf32>
    %add3A_231 = arith.constant 9.99999993E-9 : f32
    %add3A_232 = vector.broadcast %add3A_231 : f32 to vector<1024x64xf32>
    %add3A_233 = arith.addf %sub3A_230, %add3A_232 : vector<1024x64xf32>
    %max3A_234 = arith.constant 0.000000e+00 : f32
    %max3A_235 = vector.broadcast %max3A_234 : f32 to vector<1024x64xf32>
    %max3A_236 = arith.maximumf %add3A_233, %max3A_235 : vector<1024x64xf32>
    %reduce_sum3A_237 = vector.shape_cast %max3A_236 : vector<1024x64xf32> to vector<1x1024x64xf32>
    %reduce_sum3A_238 = arith.constant dense<0.000000e+00> : vector<1xf32>
    %reduce_sum3A_239 = vector.multi_reduction <add>, %reduce_sum3A_237, %reduce_sum3A_238 [1, 2] : vector<1x1024x64xf32> to vector<1xf32>
    %reduce_sum3A_240 = vector.shape_cast %reduce_sum3A_239 : vector<1xf32> to vector<1x1x1xf32>
    %reduce_sum3A_241 = vector.extract %reduce_sum3A_240[0, 0, 0] : f32 from vector<1x1x1xf32>
    %mul3A_242 = arith.mulf %squeeze3A_111, %squeeze3A_111 : vector<1024x64xf32>
    %reduce_sum3A_243 = vector.shape_cast %mul3A_242 : vector<1024x64xf32> to vector<1x1024x64xf32>
    %reduce_sum3A_244 = arith.constant dense<0.000000e+00> : vector<1xf32>
    %reduce_sum3A_245 = vector.multi_reduction <add>, %reduce_sum3A_243, %reduce_sum3A_244 [1, 2] : vector<1x1024x64xf32> to vector<1xf32>
    %reduce_sum3A_246 = vector.shape_cast %reduce_sum3A_245 : vector<1xf32> to vector<1x1x1xf32>
    %reduce_sum3A_247 = vector.extract %reduce_sum3A_246[0, 0, 0] : f32 from vector<1x1x1xf32>
    %slice3A_248 = vector.extract_strided_slice %slice3A {offsets = [5, 0, 0], sizes = [1, 1024, 64], strides = [1, 1, 1]} : vector<13x1024x64xf32> to vector<1x1024x64xf32>
    %squeeze3A_249 = vector.shape_cast %slice3A_248 : vector<1x1024x64xf32> to vector<1024x64xf32>
    %slice3A_250 = vector.extract_strided_slice %add3A {offsets = [5, 0, 0], sizes = [1, 1024, 64], strides = [1, 1, 1]} : vector<13x1024x64xf32> to vector<1x1024x64xf32>
    %squeeze3A_251 = vector.shape_cast %slice3A_250 : vector<1x1024x64xf32> to vector<1024x64xf32>
    %slice3A_252 = vector.extract_strided_slice %slice3A {offsets = [6, 0, 0], sizes = [1, 1024, 64], strides = [1, 1, 1]} : vector<13x1024x64xf32> to vector<1x1024x64xf32>
    %squeeze3A_253 = vector.shape_cast %slice3A_252 : vector<1x1024x64xf32> to vector<1024x64xf32>
    %slice3A_254 = vector.extract_strided_slice %add3A {offsets = [6, 0, 0], sizes = [1, 1024, 64], strides = [1, 1, 1]} : vector<13x1024x64xf32> to vector<1x1024x64xf32>
    %squeeze3A_255 = vector.shape_cast %slice3A_254 : vector<1x1024x64xf32> to vector<1024x64xf32>
    %slice3A_256 = vector.extract_strided_slice %add3A_12 {offsets = [0, 0, 0], sizes = [1, 1024, 64], strides = [1, 1, 1]} : vector<3x1024x64xf32> to vector<1x1024x64xf32>
    %squeeze3A_257 = vector.shape_cast %slice3A_256 : vector<1x1024x64xf32> to vector<1024x64xf32>
    %mul3A_258 = arith.mulf %squeeze3A_249, %squeeze3A_257 : vector<1024x64xf32>
    %slice3A_259 = vector.extract_strided_slice %slice3A_8 {offsets = [0, 0, 0], sizes = [1, 1024, 64], strides = [1, 1, 1]} : vector<3x1024x64xf32> to vector<1x1024x64xf32>
    %squeeze3A_260 = vector.shape_cast %slice3A_259 : vector<1x1024x64xf32> to vector<1024x64xf32>
    %add3A_261 = arith.addf %mul3A_258, %squeeze3A_260 : vector<1024x64xf32>
    %slice3A_262 = vector.extract_strided_slice %add3A_12 {offsets = [0, 0, 0], sizes = [1, 1024, 64], strides = [1, 1, 1]} : vector<3x1024x64xf32> to vector<1x1024x64xf32>
    %squeeze3A_263 = vector.shape_cast %slice3A_262 : vector<1x1024x64xf32> to vector<1024x64xf32>
    %mul3A_264 = arith.mulf %squeeze3A_251, %squeeze3A_263 : vector<1024x64xf32>
    %slice3A_265 = vector.extract_strided_slice %slice3A_8 {offsets = [0, 0, 0], sizes = [1, 1024, 64], strides = [1, 1, 1]} : vector<3x1024x64xf32> to vector<1x1024x64xf32>
    %squeeze3A_266 = vector.shape_cast %slice3A_265 : vector<1x1024x64xf32> to vector<1024x64xf32>
    %add3A_267 = arith.addf %mul3A_264, %squeeze3A_266 : vector<1024x64xf32>
    %min3A_268 = arith.minimumf %add3A_267, %squeeze3A_255 : vector<1024x64xf32>
    %max3A_269 = arith.maximumf %add3A_261, %squeeze3A_253 : vector<1024x64xf32>
    %sub3A_270 = arith.subf %min3A_268, %max3A_269 : vector<1024x64xf32>
    %max3A_271 = arith.constant 0.000000e+00 : f32
    %max3A_272 = vector.broadcast %max3A_271 : f32 to vector<1024x64xf32>
    %max3A_273 = arith.maximumf %sub3A_270, %max3A_272 : vector<1024x64xf32>
    %abs3A_274 = math.absf %sub3A_270 : vector<1024x64xf32>
    %neg3A_275 = arith.constant 0.000000e+00 : f32
    %neg3A_276 = vector.broadcast %neg3A_275 : f32 to vector<1024x64xf32>
    %neg3A_277 = arith.subf %neg3A_276, %abs3A_274 : vector<1024x64xf32>
    %exp3A_278 = math.exp %neg3A_277 : vector<1024x64xf32>
    %log1p3A_279 = math.log1p %exp3A_278 : vector<1024x64xf32>
    %add3A_280 = arith.addf %max3A_273, %log1p3A_279 : vector<1024x64xf32>
    %log3A_281 = math.log %add3A_280 : vector<1024x64xf32>
    %reduce_sum3A_282 = arith.constant dense<0.000000e+00> : vector<1024xf32>
    %reduce_sum3A_283 = vector.multi_reduction <add>, %log3A_281, %reduce_sum3A_282 [1] : vector<1024x64xf32> to vector<1024xf32>
    %jit3A_284 = arith.constant -23.0258503 : f32
    %jit3A_285 = arith.constant 9.21034049 : f32
    %max3A_286 = vector.broadcast %jit3A_284 : f32 to vector<1024xf32>
    %max3A_287 = arith.maximumf %max3A_286, %reduce_sum3A_283 : vector<1024xf32>
    %min3A_288 = vector.broadcast %jit3A_285 : f32 to vector<1024xf32>
    %min3A_289 = arith.minimumf %min3A_288, %max3A_287 : vector<1024xf32>
    %sub3A_290 = arith.subf %add3A_267, %add3A_261 : vector<1024x64xf32>
    %max3A_291 = arith.constant 0.000000e+00 : f32
    %max3A_292 = vector.broadcast %max3A_291 : f32 to vector<1024x64xf32>
    %max3A_293 = arith.maximumf %sub3A_290, %max3A_292 : vector<1024x64xf32>
    %abs3A_294 = math.absf %sub3A_290 : vector<1024x64xf32>
    %neg3A_295 = arith.constant 0.000000e+00 : f32
    %neg3A_296 = vector.broadcast %neg3A_295 : f32 to vector<1024x64xf32>
    %neg3A_297 = arith.subf %neg3A_296, %abs3A_294 : vector<1024x64xf32>
    %exp3A_298 = math.exp %neg3A_297 : vector<1024x64xf32>
    %log1p3A_299 = math.log1p %exp3A_298 : vector<1024x64xf32>
    %add3A_300 = arith.addf %max3A_293, %log1p3A_299 : vector<1024x64xf32>
    %log3A_301 = math.log %add3A_300 : vector<1024x64xf32>
    %reduce_sum3A_302 = arith.constant dense<0.000000e+00> : vector<1024xf32>
    %reduce_sum3A_303 = vector.multi_reduction <add>, %log3A_301, %reduce_sum3A_302 [1] : vector<1024x64xf32> to vector<1024xf32>
    %jit3A_304 = arith.constant -23.0258503 : f32
    %jit3A_305 = arith.constant 9.21034049 : f32
    %max3A_306 = vector.broadcast %jit3A_304 : f32 to vector<1024xf32>
    %max3A_307 = arith.maximumf %max3A_306, %reduce_sum3A_303 : vector<1024xf32>
    %min3A_308 = vector.broadcast %jit3A_305 : f32 to vector<1024xf32>
    %min3A_309 = arith.minimumf %min3A_308, %max3A_307 : vector<1024xf32>
    %sub3A_310 = arith.subf %min3A_289, %min3A_309 : vector<1024xf32>
    %exp3A_311 = math.exp %sub3A_310 : vector<1024xf32>
    %sub3A_312 = arith.constant 1.000000e+00 : f32
    %sub3A_313 = vector.broadcast %sub3A_312 : f32 to vector<1024xf32>
    %sub3A_314 = arith.subf %sub3A_313, %exp3A_311 : vector<1024xf32>
    %reduce_sum3A_315 = vector.shape_cast %sub3A_314 : vector<1024xf32> to vector<1x1024xf32>
    %reduce_sum3A_316 = arith.constant dense<0.000000e+00> : vector<1xf32>
    %reduce_sum3A_317 = vector.multi_reduction <add>, %reduce_sum3A_315, %reduce_sum3A_316 [1] : vector<1x1024xf32> to vector<1xf32>
    %reduce_sum3A_318 = vector.shape_cast %reduce_sum3A_317 : vector<1xf32> to vector<1x1xf32>
    %reduce_sum3A_319 = vector.extract %reduce_sum3A_318[0, 0] : f32 from vector<1x1xf32>
    %sub3A_320 = arith.constant 1.000000e+00 : f32
    %sub3A_321 = vector.broadcast %sub3A_320 : f32 to vector<1024x64xf32>
    %sub3A_322 = arith.subf %add3A_267, %sub3A_321 : vector<1024x64xf32>
    %add3A_323 = arith.constant 9.99999993E-9 : f32
    %add3A_324 = vector.broadcast %add3A_323 : f32 to vector<1024x64xf32>
    %add3A_325 = arith.addf %sub3A_322, %add3A_324 : vector<1024x64xf32>
    %max3A_326 = arith.constant 0.000000e+00 : f32
    %max3A_327 = vector.broadcast %max3A_326 : f32 to vector<1024x64xf32>
    %max3A_328 = arith.maximumf %add3A_325, %max3A_327 : vector<1024x64xf32>
    %reduce_sum3A_329 = vector.shape_cast %max3A_328 : vector<1024x64xf32> to vector<1x1024x64xf32>
    %reduce_sum3A_330 = arith.constant dense<0.000000e+00> : vector<1xf32>
    %reduce_sum3A_331 = vector.multi_reduction <add>, %reduce_sum3A_329, %reduce_sum3A_330 [1, 2] : vector<1x1024x64xf32> to vector<1xf32>
    %reduce_sum3A_332 = vector.shape_cast %reduce_sum3A_331 : vector<1xf32> to vector<1x1x1xf32>
    %reduce_sum3A_333 = vector.extract %reduce_sum3A_332[0, 0, 0] : f32 from vector<1x1x1xf32>
    %mul3A_334 = arith.mulf %add3A_261, %add3A_261 : vector<1024x64xf32>
    %reduce_sum3A_335 = vector.shape_cast %mul3A_334 : vector<1024x64xf32> to vector<1x1024x64xf32>
    %reduce_sum3A_336 = arith.constant dense<0.000000e+00> : vector<1xf32>
    %reduce_sum3A_337 = vector.multi_reduction <add>, %reduce_sum3A_335, %reduce_sum3A_336 [1, 2] : vector<1x1024x64xf32> to vector<1xf32>
    %reduce_sum3A_338 = vector.shape_cast %reduce_sum3A_337 : vector<1xf32> to vector<1x1x1xf32>
    %reduce_sum3A_339 = vector.extract %reduce_sum3A_338[0, 0, 0] : f32 from vector<1x1x1xf32>
    %sub3A_340 = arith.constant 1.000000e+00 : f32
    %sub3A_341 = vector.broadcast %sub3A_340 : f32 to vector<1024x64xf32>
    %sub3A_342 = arith.subf %squeeze3A_251, %sub3A_341 : vector<1024x64xf32>
    %add3A_343 = arith.constant 9.99999993E-9 : f32
    %add3A_344 = vector.broadcast %add3A_343 : f32 to vector<1024x64xf32>
    %add3A_345 = arith.addf %sub3A_342, %add3A_344 : vector<1024x64xf32>
    %max3A_346 = arith.constant 0.000000e+00 : f32
    %max3A_347 = vector.broadcast %max3A_346 : f32 to vector<1024x64xf32>
    %max3A_348 = arith.maximumf %add3A_345, %max3A_347 : vector<1024x64xf32>
    %reduce_sum3A_349 = vector.shape_cast %max3A_348 : vector<1024x64xf32> to vector<1x1024x64xf32>
    %reduce_sum3A_350 = arith.constant dense<0.000000e+00> : vector<1xf32>
    %reduce_sum3A_351 = vector.multi_reduction <add>, %reduce_sum3A_349, %reduce_sum3A_350 [1, 2] : vector<1x1024x64xf32> to vector<1xf32>
    %reduce_sum3A_352 = vector.shape_cast %reduce_sum3A_351 : vector<1xf32> to vector<1x1x1xf32>
    %reduce_sum3A_353 = vector.extract %reduce_sum3A_352[0, 0, 0] : f32 from vector<1x1x1xf32>
    %mul3A_354 = arith.mulf %squeeze3A_249, %squeeze3A_249 : vector<1024x64xf32>
    %reduce_sum3A_355 = vector.shape_cast %mul3A_354 : vector<1024x64xf32> to vector<1x1024x64xf32>
    %reduce_sum3A_356 = arith.constant dense<0.000000e+00> : vector<1xf32>
    %reduce_sum3A_357 = vector.multi_reduction <add>, %reduce_sum3A_355, %reduce_sum3A_356 [1, 2] : vector<1x1024x64xf32> to vector<1xf32>
    %reduce_sum3A_358 = vector.shape_cast %reduce_sum3A_357 : vector<1xf32> to vector<1x1x1xf32>
    %reduce_sum3A_359 = vector.extract %reduce_sum3A_358[0, 0, 0] : f32 from vector<1x1x1xf32>
    %sub3A_360 = arith.constant 1.000000e+00 : f32
    %sub3A_361 = vector.broadcast %sub3A_360 : f32 to vector<1024x64xf32>
    %sub3A_362 = arith.subf %squeeze3A_255, %sub3A_361 : vector<1024x64xf32>
    %add3A_363 = arith.constant 9.99999993E-9 : f32
    %add3A_364 = vector.broadcast %add3A_363 : f32 to vector<1024x64xf32>
    %add3A_365 = arith.addf %sub3A_362, %add3A_364 : vector<1024x64xf32>
    %max3A_366 = arith.constant 0.000000e+00 : f32
    %max3A_367 = vector.broadcast %max3A_366 : f32 to vector<1024x64xf32>
    %max3A_368 = arith.maximumf %add3A_365, %max3A_367 : vector<1024x64xf32>
    %reduce_sum3A_369 = vector.shape_cast %max3A_368 : vector<1024x64xf32> to vector<1x1024x64xf32>
    %reduce_sum3A_370 = arith.constant dense<0.000000e+00> : vector<1xf32>
    %reduce_sum3A_371 = vector.multi_reduction <add>, %reduce_sum3A_369, %reduce_sum3A_370 [1, 2] : vector<1x1024x64xf32> to vector<1xf32>
    %reduce_sum3A_372 = vector.shape_cast %reduce_sum3A_371 : vector<1xf32> to vector<1x1x1xf32>
    %reduce_sum3A_373 = vector.extract %reduce_sum3A_372[0, 0, 0] : f32 from vector<1x1x1xf32>
    %mul3A_374 = arith.mulf %squeeze3A_253, %squeeze3A_253 : vector<1024x64xf32>
    %reduce_sum3A_375 = vector.shape_cast %mul3A_374 : vector<1024x64xf32> to vector<1x1024x64xf32>
    %reduce_sum3A_376 = arith.constant dense<0.000000e+00> : vector<1xf32>
    %reduce_sum3A_377 = vector.multi_reduction <add>, %reduce_sum3A_375, %reduce_sum3A_376 [1, 2] : vector<1x1024x64xf32> to vector<1xf32>
    %reduce_sum3A_378 = vector.shape_cast %reduce_sum3A_377 : vector<1xf32> to vector<1x1x1xf32>
    %reduce_sum3A_379 = vector.extract %reduce_sum3A_378[0, 0, 0] : f32 from vector<1x1x1xf32>
    %slice3A_380 = vector.extract_strided_slice %slice3A {offsets = [7, 0, 0], sizes = [1, 1024, 64], strides = [1, 1, 1]} : vector<13x1024x64xf32> to vector<1x1024x64xf32>
    %squeeze3A_381 = vector.shape_cast %slice3A_380 : vector<1x1024x64xf32> to vector<1024x64xf32>
    %slice3A_382 = vector.extract_strided_slice %add3A {offsets = [7, 0, 0], sizes = [1, 1024, 64], strides = [1, 1, 1]} : vector<13x1024x64xf32> to vector<1x1024x64xf32>
    %squeeze3A_383 = vector.shape_cast %slice3A_382 : vector<1x1024x64xf32> to vector<1024x64xf32>
    %slice3A_384 = vector.extract_strided_slice %slice3A {offsets = [8, 0, 0], sizes = [1, 1024, 64], strides = [1, 1, 1]} : vector<13x1024x64xf32> to vector<1x1024x64xf32>
    %squeeze3A_385 = vector.shape_cast %slice3A_384 : vector<1x1024x64xf32> to vector<1024x64xf32>
    %slice3A_386 = vector.extract_strided_slice %add3A {offsets = [8, 0, 0], sizes = [1, 1024, 64], strides = [1, 1, 1]} : vector<13x1024x64xf32> to vector<1x1024x64xf32>
    %squeeze3A_387 = vector.shape_cast %slice3A_386 : vector<1x1024x64xf32> to vector<1024x64xf32>
    %slice3A_388 = vector.extract_strided_slice %slice3A_8 {offsets = [1, 0, 0], sizes = [1, 1024, 64], strides = [1, 1, 1]} : vector<3x1024x64xf32> to vector<1x1024x64xf32>
    %squeeze3A_389 = vector.shape_cast %slice3A_388 : vector<1x1024x64xf32> to vector<1024x64xf32>
    %sub3A_390 = arith.subf %squeeze3A_381, %squeeze3A_389 : vector<1024x64xf32>
    %slice3A_391 = vector.extract_strided_slice %add3A_12 {offsets = [1, 0, 0], sizes = [1, 1024, 64], strides = [1, 1, 1]} : vector<3x1024x64xf32> to vector<1x1024x64xf32>
    %squeeze3A_392 = vector.shape_cast %slice3A_391 : vector<1x1024x64xf32> to vector<1024x64xf32>
    %div3A = arith.divf %sub3A_390, %squeeze3A_392 : vector<1024x64xf32>
    %slice3A_393 = vector.extract_strided_slice %slice3A_8 {offsets = [1, 0, 0], sizes = [1, 1024, 64], strides = [1, 1, 1]} : vector<3x1024x64xf32> to vector<1x1024x64xf32>
    %squeeze3A_394 = vector.shape_cast %slice3A_393 : vector<1x1024x64xf32> to vector<1024x64xf32>
    %sub3A_395 = arith.subf %squeeze3A_383, %squeeze3A_394 : vector<1024x64xf32>
    %slice3A_396 = vector.extract_strided_slice %add3A_12 {offsets = [1, 0, 0], sizes = [1, 1024, 64], strides = [1, 1, 1]} : vector<3x1024x64xf32> to vector<1x1024x64xf32>
    %squeeze3A_397 = vector.shape_cast %slice3A_396 : vector<1x1024x64xf32> to vector<1024x64xf32>
    %div3A_398 = arith.divf %sub3A_395, %squeeze3A_397 : vector<1024x64xf32>
    %min3A_399 = arith.minimumf %div3A_398, %squeeze3A_387 : vector<1024x64xf32>
    %max3A_400 = arith.maximumf %div3A, %squeeze3A_385 : vector<1024x64xf32>
    %sub3A_401 = arith.subf %min3A_399, %max3A_400 : vector<1024x64xf32>
    %max3A_402 = arith.constant 0.000000e+00 : f32
    %max3A_403 = vector.broadcast %max3A_402 : f32 to vector<1024x64xf32>
    %max3A_404 = arith.maximumf %sub3A_401, %max3A_403 : vector<1024x64xf32>
    %abs3A_405 = math.absf %sub3A_401 : vector<1024x64xf32>
    %neg3A_406 = arith.constant 0.000000e+00 : f32
    %neg3A_407 = vector.broadcast %neg3A_406 : f32 to vector<1024x64xf32>
    %neg3A_408 = arith.subf %neg3A_407, %abs3A_405 : vector<1024x64xf32>
    %exp3A_409 = math.exp %neg3A_408 : vector<1024x64xf32>
    %log1p3A_410 = math.log1p %exp3A_409 : vector<1024x64xf32>
    %add3A_411 = arith.addf %max3A_404, %log1p3A_410 : vector<1024x64xf32>
    %log3A_412 = math.log %add3A_411 : vector<1024x64xf32>
    %reduce_sum3A_413 = arith.constant dense<0.000000e+00> : vector<1024xf32>
    %reduce_sum3A_414 = vector.multi_reduction <add>, %log3A_412, %reduce_sum3A_413 [1] : vector<1024x64xf32> to vector<1024xf32>
    %jit3A_415 = arith.constant -23.0258503 : f32
    %jit3A_416 = arith.constant 9.21034049 : f32
    %max3A_417 = vector.broadcast %jit3A_415 : f32 to vector<1024xf32>
    %max3A_418 = arith.maximumf %max3A_417, %reduce_sum3A_414 : vector<1024xf32>
    %min3A_419 = vector.broadcast %jit3A_416 : f32 to vector<1024xf32>
    %min3A_420 = arith.minimumf %min3A_419, %max3A_418 : vector<1024xf32>
    %sub3A_421 = arith.subf %div3A_398, %div3A : vector<1024x64xf32>
    %max3A_422 = arith.constant 0.000000e+00 : f32
    %max3A_423 = vector.broadcast %max3A_422 : f32 to vector<1024x64xf32>
    %max3A_424 = arith.maximumf %sub3A_421, %max3A_423 : vector<1024x64xf32>
    %abs3A_425 = math.absf %sub3A_421 : vector<1024x64xf32>
    %neg3A_426 = arith.constant 0.000000e+00 : f32
    %neg3A_427 = vector.broadcast %neg3A_426 : f32 to vector<1024x64xf32>
    %neg3A_428 = arith.subf %neg3A_427, %abs3A_425 : vector<1024x64xf32>
    %exp3A_429 = math.exp %neg3A_428 : vector<1024x64xf32>
    %log1p3A_430 = math.log1p %exp3A_429 : vector<1024x64xf32>
    %add3A_431 = arith.addf %max3A_424, %log1p3A_430 : vector<1024x64xf32>
    %log3A_432 = math.log %add3A_431 : vector<1024x64xf32>
    %reduce_sum3A_433 = arith.constant dense<0.000000e+00> : vector<1024xf32>
    %reduce_sum3A_434 = vector.multi_reduction <add>, %log3A_432, %reduce_sum3A_433 [1] : vector<1024x64xf32> to vector<1024xf32>
    %jit3A_435 = arith.constant -23.0258503 : f32
    %jit3A_436 = arith.constant 9.21034049 : f32
    %max3A_437 = vector.broadcast %jit3A_435 : f32 to vector<1024xf32>
    %max3A_438 = arith.maximumf %max3A_437, %reduce_sum3A_434 : vector<1024xf32>
    %min3A_439 = vector.broadcast %jit3A_436 : f32 to vector<1024xf32>
    %min3A_440 = arith.minimumf %min3A_439, %max3A_438 : vector<1024xf32>
    %sub3A_441 = arith.subf %min3A_420, %min3A_440 : vector<1024xf32>
    %exp3A_442 = math.exp %sub3A_441 : vector<1024xf32>
    %sub3A_443 = arith.constant 1.000000e+00 : f32
    %sub3A_444 = vector.broadcast %sub3A_443 : f32 to vector<1024xf32>
    %sub3A_445 = arith.subf %sub3A_444, %exp3A_442 : vector<1024xf32>
    %reduce_sum3A_446 = vector.shape_cast %sub3A_445 : vector<1024xf32> to vector<1x1024xf32>
    %reduce_sum3A_447 = arith.constant dense<0.000000e+00> : vector<1xf32>
    %reduce_sum3A_448 = vector.multi_reduction <add>, %reduce_sum3A_446, %reduce_sum3A_447 [1] : vector<1x1024xf32> to vector<1xf32>
    %reduce_sum3A_449 = vector.shape_cast %reduce_sum3A_448 : vector<1xf32> to vector<1x1xf32>
    %reduce_sum3A_450 = vector.extract %reduce_sum3A_449[0, 0] : f32 from vector<1x1xf32>
    %sub3A_451 = arith.constant 1.000000e+00 : f32
    %sub3A_452 = vector.broadcast %sub3A_451 : f32 to vector<1024x64xf32>
    %sub3A_453 = arith.subf %div3A_398, %sub3A_452 : vector<1024x64xf32>
    %add3A_454 = arith.constant 9.99999993E-9 : f32
    %add3A_455 = vector.broadcast %add3A_454 : f32 to vector<1024x64xf32>
    %add3A_456 = arith.addf %sub3A_453, %add3A_455 : vector<1024x64xf32>
    %max3A_457 = arith.constant 0.000000e+00 : f32
    %max3A_458 = vector.broadcast %max3A_457 : f32 to vector<1024x64xf32>
    %max3A_459 = arith.maximumf %add3A_456, %max3A_458 : vector<1024x64xf32>
    %reduce_sum3A_460 = vector.shape_cast %max3A_459 : vector<1024x64xf32> to vector<1x1024x64xf32>
    %reduce_sum3A_461 = arith.constant dense<0.000000e+00> : vector<1xf32>
    %reduce_sum3A_462 = vector.multi_reduction <add>, %reduce_sum3A_460, %reduce_sum3A_461 [1, 2] : vector<1x1024x64xf32> to vector<1xf32>
    %reduce_sum3A_463 = vector.shape_cast %reduce_sum3A_462 : vector<1xf32> to vector<1x1x1xf32>
    %reduce_sum3A_464 = vector.extract %reduce_sum3A_463[0, 0, 0] : f32 from vector<1x1x1xf32>
    %mul3A_465 = arith.mulf %div3A, %div3A : vector<1024x64xf32>
    %reduce_sum3A_466 = vector.shape_cast %mul3A_465 : vector<1024x64xf32> to vector<1x1024x64xf32>
    %reduce_sum3A_467 = arith.constant dense<0.000000e+00> : vector<1xf32>
    %reduce_sum3A_468 = vector.multi_reduction <add>, %reduce_sum3A_466, %reduce_sum3A_467 [1, 2] : vector<1x1024x64xf32> to vector<1xf32>
    %reduce_sum3A_469 = vector.shape_cast %reduce_sum3A_468 : vector<1xf32> to vector<1x1x1xf32>
    %reduce_sum3A_470 = vector.extract %reduce_sum3A_469[0, 0, 0] : f32 from vector<1x1x1xf32>
    %sub3A_471 = arith.constant 1.000000e+00 : f32
    %sub3A_472 = vector.broadcast %sub3A_471 : f32 to vector<1024x64xf32>
    %sub3A_473 = arith.subf %squeeze3A_383, %sub3A_472 : vector<1024x64xf32>
    %add3A_474 = arith.constant 9.99999993E-9 : f32
    %add3A_475 = vector.broadcast %add3A_474 : f32 to vector<1024x64xf32>
    %add3A_476 = arith.addf %sub3A_473, %add3A_475 : vector<1024x64xf32>
    %max3A_477 = arith.constant 0.000000e+00 : f32
    %max3A_478 = vector.broadcast %max3A_477 : f32 to vector<1024x64xf32>
    %max3A_479 = arith.maximumf %add3A_476, %max3A_478 : vector<1024x64xf32>
    %reduce_sum3A_480 = vector.shape_cast %max3A_479 : vector<1024x64xf32> to vector<1x1024x64xf32>
    %reduce_sum3A_481 = arith.constant dense<0.000000e+00> : vector<1xf32>
    %reduce_sum3A_482 = vector.multi_reduction <add>, %reduce_sum3A_480, %reduce_sum3A_481 [1, 2] : vector<1x1024x64xf32> to vector<1xf32>
    %reduce_sum3A_483 = vector.shape_cast %reduce_sum3A_482 : vector<1xf32> to vector<1x1x1xf32>
    %reduce_sum3A_484 = vector.extract %reduce_sum3A_483[0, 0, 0] : f32 from vector<1x1x1xf32>
    %mul3A_485 = arith.mulf %squeeze3A_381, %squeeze3A_381 : vector<1024x64xf32>
    %reduce_sum3A_486 = vector.shape_cast %mul3A_485 : vector<1024x64xf32> to vector<1x1024x64xf32>
    %reduce_sum3A_487 = arith.constant dense<0.000000e+00> : vector<1xf32>
    %reduce_sum3A_488 = vector.multi_reduction <add>, %reduce_sum3A_486, %reduce_sum3A_487 [1, 2] : vector<1x1024x64xf32> to vector<1xf32>
    %reduce_sum3A_489 = vector.shape_cast %reduce_sum3A_488 : vector<1xf32> to vector<1x1x1xf32>
    %reduce_sum3A_490 = vector.extract %reduce_sum3A_489[0, 0, 0] : f32 from vector<1x1x1xf32>
    %sub3A_491 = arith.constant 1.000000e+00 : f32
    %sub3A_492 = vector.broadcast %sub3A_491 : f32 to vector<1024x64xf32>
    %sub3A_493 = arith.subf %squeeze3A_387, %sub3A_492 : vector<1024x64xf32>
    %add3A_494 = arith.constant 9.99999993E-9 : f32
    %add3A_495 = vector.broadcast %add3A_494 : f32 to vector<1024x64xf32>
    %add3A_496 = arith.addf %sub3A_493, %add3A_495 : vector<1024x64xf32>
    %max3A_497 = arith.constant 0.000000e+00 : f32
    %max3A_498 = vector.broadcast %max3A_497 : f32 to vector<1024x64xf32>
    %max3A_499 = arith.maximumf %add3A_496, %max3A_498 : vector<1024x64xf32>
    %reduce_sum3A_500 = vector.shape_cast %max3A_499 : vector<1024x64xf32> to vector<1x1024x64xf32>
    %reduce_sum3A_501 = arith.constant dense<0.000000e+00> : vector<1xf32>
    %reduce_sum3A_502 = vector.multi_reduction <add>, %reduce_sum3A_500, %reduce_sum3A_501 [1, 2] : vector<1x1024x64xf32> to vector<1xf32>
    %reduce_sum3A_503 = vector.shape_cast %reduce_sum3A_502 : vector<1xf32> to vector<1x1x1xf32>
    %reduce_sum3A_504 = vector.extract %reduce_sum3A_503[0, 0, 0] : f32 from vector<1x1x1xf32>
    %mul3A_505 = arith.mulf %squeeze3A_385, %squeeze3A_385 : vector<1024x64xf32>
    %reduce_sum3A_506 = vector.shape_cast %mul3A_505 : vector<1024x64xf32> to vector<1x1024x64xf32>
    %reduce_sum3A_507 = arith.constant dense<0.000000e+00> : vector<1xf32>
    %reduce_sum3A_508 = vector.multi_reduction <add>, %reduce_sum3A_506, %reduce_sum3A_507 [1, 2] : vector<1x1024x64xf32> to vector<1xf32>
    %reduce_sum3A_509 = vector.shape_cast %reduce_sum3A_508 : vector<1xf32> to vector<1x1x1xf32>
    %reduce_sum3A_510 = vector.extract %reduce_sum3A_509[0, 0, 0] : f32 from vector<1x1x1xf32>
    %slice3A_511 = vector.extract_strided_slice %slice3A {offsets = [9, 0, 0], sizes = [1, 1024, 64], strides = [1, 1, 1]} : vector<13x1024x64xf32> to vector<1x1024x64xf32>
    %squeeze3A_512 = vector.shape_cast %slice3A_511 : vector<1x1024x64xf32> to vector<1024x64xf32>
    %slice3A_513 = vector.extract_strided_slice %add3A {offsets = [9, 0, 0], sizes = [1, 1024, 64], strides = [1, 1, 1]} : vector<13x1024x64xf32> to vector<1x1024x64xf32>
    %squeeze3A_514 = vector.shape_cast %slice3A_513 : vector<1x1024x64xf32> to vector<1024x64xf32>
    %slice3A_515 = vector.extract_strided_slice %slice3A {offsets = [10, 0, 0], sizes = [1, 1024, 64], strides = [1, 1, 1]} : vector<13x1024x64xf32> to vector<1x1024x64xf32>
    %squeeze3A_516 = vector.shape_cast %slice3A_515 : vector<1x1024x64xf32> to vector<1024x64xf32>
    %slice3A_517 = vector.extract_strided_slice %add3A {offsets = [10, 0, 0], sizes = [1, 1024, 64], strides = [1, 1, 1]} : vector<13x1024x64xf32> to vector<1x1024x64xf32>
    %squeeze3A_518 = vector.shape_cast %slice3A_517 : vector<1x1024x64xf32> to vector<1024x64xf32>
    %min3A_519 = arith.minimumf %squeeze3A_514, %squeeze3A_518 : vector<1024x64xf32>
    %max3A_520 = arith.maximumf %squeeze3A_512, %squeeze3A_516 : vector<1024x64xf32>
    %sub3A_521 = arith.subf %min3A_519, %max3A_520 : vector<1024x64xf32>
    %max3A_522 = arith.constant 0.000000e+00 : f32
    %max3A_523 = vector.broadcast %max3A_522 : f32 to vector<1024x64xf32>
    %max3A_524 = arith.maximumf %sub3A_521, %max3A_523 : vector<1024x64xf32>
    %abs3A_525 = math.absf %sub3A_521 : vector<1024x64xf32>
    %neg3A_526 = arith.constant 0.000000e+00 : f32
    %neg3A_527 = vector.broadcast %neg3A_526 : f32 to vector<1024x64xf32>
    %neg3A_528 = arith.subf %neg3A_527, %abs3A_525 : vector<1024x64xf32>
    %exp3A_529 = math.exp %neg3A_528 : vector<1024x64xf32>
    %log1p3A_530 = math.log1p %exp3A_529 : vector<1024x64xf32>
    %add3A_531 = arith.addf %max3A_524, %log1p3A_530 : vector<1024x64xf32>
    %log3A_532 = math.log %add3A_531 : vector<1024x64xf32>
    %reduce_sum3A_533 = arith.constant dense<0.000000e+00> : vector<1024xf32>
    %reduce_sum3A_534 = vector.multi_reduction <add>, %log3A_532, %reduce_sum3A_533 [1] : vector<1024x64xf32> to vector<1024xf32>
    %jit3A_535 = arith.constant -23.0258503 : f32
    %jit3A_536 = arith.constant 9.21034049 : f32
    %max3A_537 = vector.broadcast %jit3A_535 : f32 to vector<1024xf32>
    %max3A_538 = arith.maximumf %max3A_537, %reduce_sum3A_534 : vector<1024xf32>
    %min3A_539 = vector.broadcast %jit3A_536 : f32 to vector<1024xf32>
    %min3A_540 = arith.minimumf %min3A_539, %max3A_538 : vector<1024xf32>
    %sub3A_541 = arith.subf %squeeze3A_514, %squeeze3A_512 : vector<1024x64xf32>
    %max3A_542 = arith.constant 0.000000e+00 : f32
    %max3A_543 = vector.broadcast %max3A_542 : f32 to vector<1024x64xf32>
    %max3A_544 = arith.maximumf %sub3A_541, %max3A_543 : vector<1024x64xf32>
    %abs3A_545 = math.absf %sub3A_541 : vector<1024x64xf32>
    %neg3A_546 = arith.constant 0.000000e+00 : f32
    %neg3A_547 = vector.broadcast %neg3A_546 : f32 to vector<1024x64xf32>
    %neg3A_548 = arith.subf %neg3A_547, %abs3A_545 : vector<1024x64xf32>
    %exp3A_549 = math.exp %neg3A_548 : vector<1024x64xf32>
    %log1p3A_550 = math.log1p %exp3A_549 : vector<1024x64xf32>
    %add3A_551 = arith.addf %max3A_544, %log1p3A_550 : vector<1024x64xf32>
    %log3A_552 = math.log %add3A_551 : vector<1024x64xf32>
    %reduce_sum3A_553 = arith.constant dense<0.000000e+00> : vector<1024xf32>
    %reduce_sum3A_554 = vector.multi_reduction <add>, %log3A_552, %reduce_sum3A_553 [1] : vector<1024x64xf32> to vector<1024xf32>
    %jit3A_555 = arith.constant -23.0258503 : f32
    %jit3A_556 = arith.constant 9.21034049 : f32
    %max3A_557 = vector.broadcast %jit3A_555 : f32 to vector<1024xf32>
    %max3A_558 = arith.maximumf %max3A_557, %reduce_sum3A_554 : vector<1024xf32>
    %min3A_559 = vector.broadcast %jit3A_556 : f32 to vector<1024xf32>
    %min3A_560 = arith.minimumf %min3A_559, %max3A_558 : vector<1024xf32>
    %sub3A_561 = arith.subf %squeeze3A_518, %squeeze3A_516 : vector<1024x64xf32>
    %max3A_562 = arith.constant 0.000000e+00 : f32
    %max3A_563 = vector.broadcast %max3A_562 : f32 to vector<1024x64xf32>
    %max3A_564 = arith.maximumf %sub3A_561, %max3A_563 : vector<1024x64xf32>
    %abs3A_565 = math.absf %sub3A_561 : vector<1024x64xf32>
    %neg3A_566 = arith.constant 0.000000e+00 : f32
    %neg3A_567 = vector.broadcast %neg3A_566 : f32 to vector<1024x64xf32>
    %neg3A_568 = arith.subf %neg3A_567, %abs3A_565 : vector<1024x64xf32>
    %exp3A_569 = math.exp %neg3A_568 : vector<1024x64xf32>
    %log1p3A_570 = math.log1p %exp3A_569 : vector<1024x64xf32>
    %add3A_571 = arith.addf %max3A_564, %log1p3A_570 : vector<1024x64xf32>
    %log3A_572 = math.log %add3A_571 : vector<1024x64xf32>
    %reduce_sum3A_573 = arith.constant dense<0.000000e+00> : vector<1024xf32>
    %reduce_sum3A_574 = vector.multi_reduction <add>, %log3A_572, %reduce_sum3A_573 [1] : vector<1024x64xf32> to vector<1024xf32>
    %jit3A_575 = arith.constant -23.0258503 : f32
    %jit3A_576 = arith.constant 9.21034049 : f32
    %max3A_577 = vector.broadcast %jit3A_575 : f32 to vector<1024xf32>
    %max3A_578 = arith.maximumf %max3A_577, %reduce_sum3A_574 : vector<1024xf32>
    %min3A_579 = vector.broadcast %jit3A_576 : f32 to vector<1024xf32>
    %min3A_580 = arith.minimumf %min3A_579, %max3A_578 : vector<1024xf32>
    %add3A_581 = arith.addf %min3A_560, %min3A_580 : vector<1024xf32>
    %sub3A_582 = arith.subf %min3A_540, %add3A_581 : vector<1024xf32>
    %exp3A_583 = math.exp %sub3A_582 : vector<1024xf32>
    %reduce_sum3A_584 = vector.shape_cast %exp3A_583 : vector<1024xf32> to vector<1x1024xf32>
    %reduce_sum3A_585 = arith.constant dense<0.000000e+00> : vector<1xf32>
    %reduce_sum3A_586 = vector.multi_reduction <add>, %reduce_sum3A_584, %reduce_sum3A_585 [1] : vector<1x1024xf32> to vector<1xf32>
    %reduce_sum3A_587 = vector.shape_cast %reduce_sum3A_586 : vector<1xf32> to vector<1x1xf32>
    %reduce_sum3A_588 = vector.extract %reduce_sum3A_587[0, 0] : f32 from vector<1x1xf32>
    %sub3A_589 = arith.constant 1.000000e+00 : f32
    %sub3A_590 = vector.broadcast %sub3A_589 : f32 to vector<1024x64xf32>
    %sub3A_591 = arith.subf %squeeze3A_514, %sub3A_590 : vector<1024x64xf32>
    %add3A_592 = arith.constant 9.99999993E-9 : f32
    %add3A_593 = vector.broadcast %add3A_592 : f32 to vector<1024x64xf32>
    %add3A_594 = arith.addf %sub3A_591, %add3A_593 : vector<1024x64xf32>
    %max3A_595 = arith.constant 0.000000e+00 : f32
    %max3A_596 = vector.broadcast %max3A_595 : f32 to vector<1024x64xf32>
    %max3A_597 = arith.maximumf %add3A_594, %max3A_596 : vector<1024x64xf32>
    %reduce_sum3A_598 = vector.shape_cast %max3A_597 : vector<1024x64xf32> to vector<1x1024x64xf32>
    %reduce_sum3A_599 = arith.constant dense<0.000000e+00> : vector<1xf32>
    %reduce_sum3A_600 = vector.multi_reduction <add>, %reduce_sum3A_598, %reduce_sum3A_599 [1, 2] : vector<1x1024x64xf32> to vector<1xf32>
    %reduce_sum3A_601 = vector.shape_cast %reduce_sum3A_600 : vector<1xf32> to vector<1x1x1xf32>
    %reduce_sum3A_602 = vector.extract %reduce_sum3A_601[0, 0, 0] : f32 from vector<1x1x1xf32>
    %mul3A_603 = arith.mulf %squeeze3A_512, %squeeze3A_512 : vector<1024x64xf32>
    %reduce_sum3A_604 = vector.shape_cast %mul3A_603 : vector<1024x64xf32> to vector<1x1024x64xf32>
    %reduce_sum3A_605 = arith.constant dense<0.000000e+00> : vector<1xf32>
    %reduce_sum3A_606 = vector.multi_reduction <add>, %reduce_sum3A_604, %reduce_sum3A_605 [1, 2] : vector<1x1024x64xf32> to vector<1xf32>
    %reduce_sum3A_607 = vector.shape_cast %reduce_sum3A_606 : vector<1xf32> to vector<1x1x1xf32>
    %reduce_sum3A_608 = vector.extract %reduce_sum3A_607[0, 0, 0] : f32 from vector<1x1x1xf32>
    %sub3A_609 = arith.constant 1.000000e+00 : f32
    %sub3A_610 = vector.broadcast %sub3A_609 : f32 to vector<1024x64xf32>
    %sub3A_611 = arith.subf %squeeze3A_518, %sub3A_610 : vector<1024x64xf32>
    %add3A_612 = arith.constant 9.99999993E-9 : f32
    %add3A_613 = vector.broadcast %add3A_612 : f32 to vector<1024x64xf32>
    %add3A_614 = arith.addf %sub3A_611, %add3A_613 : vector<1024x64xf32>
    %max3A_615 = arith.constant 0.000000e+00 : f32
    %max3A_616 = vector.broadcast %max3A_615 : f32 to vector<1024x64xf32>
    %max3A_617 = arith.maximumf %add3A_614, %max3A_616 : vector<1024x64xf32>
    %reduce_sum3A_618 = vector.shape_cast %max3A_617 : vector<1024x64xf32> to vector<1x1024x64xf32>
    %reduce_sum3A_619 = arith.constant dense<0.000000e+00> : vector<1xf32>
    %reduce_sum3A_620 = vector.multi_reduction <add>, %reduce_sum3A_618, %reduce_sum3A_619 [1, 2] : vector<1x1024x64xf32> to vector<1xf32>
    %reduce_sum3A_621 = vector.shape_cast %reduce_sum3A_620 : vector<1xf32> to vector<1x1x1xf32>
    %reduce_sum3A_622 = vector.extract %reduce_sum3A_621[0, 0, 0] : f32 from vector<1x1x1xf32>
    %mul3A_623 = arith.mulf %squeeze3A_516, %squeeze3A_516 : vector<1024x64xf32>
    %reduce_sum3A_624 = vector.shape_cast %mul3A_623 : vector<1024x64xf32> to vector<1x1024x64xf32>
    %reduce_sum3A_625 = arith.constant dense<0.000000e+00> : vector<1xf32>
    %reduce_sum3A_626 = vector.multi_reduction <add>, %reduce_sum3A_624, %reduce_sum3A_625 [1, 2] : vector<1x1024x64xf32> to vector<1xf32>
    %reduce_sum3A_627 = vector.shape_cast %reduce_sum3A_626 : vector<1xf32> to vector<1x1x1xf32>
    %reduce_sum3A_628 = vector.extract %reduce_sum3A_627[0, 0, 0] : f32 from vector<1x1x1xf32>
    %slice3A_629 = vector.extract_strided_slice %slice3A {offsets = [11, 0, 0], sizes = [1, 1024, 64], strides = [1, 1, 1]} : vector<13x1024x64xf32> to vector<1x1024x64xf32>
    %squeeze3A_630 = vector.shape_cast %slice3A_629 : vector<1x1024x64xf32> to vector<1024x64xf32>
    %slice3A_631 = vector.extract_strided_slice %add3A {offsets = [11, 0, 0], sizes = [1, 1024, 64], strides = [1, 1, 1]} : vector<13x1024x64xf32> to vector<1x1024x64xf32>
    %squeeze3A_632 = vector.shape_cast %slice3A_631 : vector<1x1024x64xf32> to vector<1024x64xf32>
    %slice3A_633 = vector.extract_strided_slice %slice3A {offsets = [12, 0, 0], sizes = [1, 1024, 64], strides = [1, 1, 1]} : vector<13x1024x64xf32> to vector<1x1024x64xf32>
    %squeeze3A_634 = vector.shape_cast %slice3A_633 : vector<1x1024x64xf32> to vector<1024x64xf32>
    %slice3A_635 = vector.extract_strided_slice %add3A {offsets = [12, 0, 0], sizes = [1, 1024, 64], strides = [1, 1, 1]} : vector<13x1024x64xf32> to vector<1x1024x64xf32>
    %squeeze3A_636 = vector.shape_cast %slice3A_635 : vector<1x1024x64xf32> to vector<1024x64xf32>
    %slice3A_637 = vector.extract_strided_slice %add3A_12 {offsets = [2, 0, 0], sizes = [1, 1024, 64], strides = [1, 1, 1]} : vector<3x1024x64xf32> to vector<1x1024x64xf32>
    %squeeze3A_638 = vector.shape_cast %slice3A_637 : vector<1x1024x64xf32> to vector<1024x64xf32>
    %mul3A_639 = arith.mulf %squeeze3A_630, %squeeze3A_638 : vector<1024x64xf32>
    %slice3A_640 = vector.extract_strided_slice %slice3A_8 {offsets = [2, 0, 0], sizes = [1, 1024, 64], strides = [1, 1, 1]} : vector<3x1024x64xf32> to vector<1x1024x64xf32>
    %squeeze3A_641 = vector.shape_cast %slice3A_640 : vector<1x1024x64xf32> to vector<1024x64xf32>
    %add3A_642 = arith.addf %mul3A_639, %squeeze3A_641 : vector<1024x64xf32>
    %slice3A_643 = vector.extract_strided_slice %add3A_12 {offsets = [2, 0, 0], sizes = [1, 1024, 64], strides = [1, 1, 1]} : vector<3x1024x64xf32> to vector<1x1024x64xf32>
    %squeeze3A_644 = vector.shape_cast %slice3A_643 : vector<1x1024x64xf32> to vector<1024x64xf32>
    %mul3A_645 = arith.mulf %squeeze3A_632, %squeeze3A_644 : vector<1024x64xf32>
    %slice3A_646 = vector.extract_strided_slice %slice3A_8 {offsets = [2, 0, 0], sizes = [1, 1024, 64], strides = [1, 1, 1]} : vector<3x1024x64xf32> to vector<1x1024x64xf32>
    %squeeze3A_647 = vector.shape_cast %slice3A_646 : vector<1x1024x64xf32> to vector<1024x64xf32>
    %add3A_648 = arith.addf %mul3A_645, %squeeze3A_647 : vector<1024x64xf32>
    %min3A_649 = arith.minimumf %add3A_648, %squeeze3A_636 : vector<1024x64xf32>
    %max3A_650 = arith.maximumf %add3A_642, %squeeze3A_634 : vector<1024x64xf32>
    %sub3A_651 = arith.subf %min3A_649, %max3A_650 : vector<1024x64xf32>
    %max3A_652 = arith.constant 0.000000e+00 : f32
    %max3A_653 = vector.broadcast %max3A_652 : f32 to vector<1024x64xf32>
    %max3A_654 = arith.maximumf %sub3A_651, %max3A_653 : vector<1024x64xf32>
    %abs3A_655 = math.absf %sub3A_651 : vector<1024x64xf32>
    %neg3A_656 = arith.constant 0.000000e+00 : f32
    %neg3A_657 = vector.broadcast %neg3A_656 : f32 to vector<1024x64xf32>
    %neg3A_658 = arith.subf %neg3A_657, %abs3A_655 : vector<1024x64xf32>
    %exp3A_659 = math.exp %neg3A_658 : vector<1024x64xf32>
    %log1p3A_660 = math.log1p %exp3A_659 : vector<1024x64xf32>
    %add3A_661 = arith.addf %max3A_654, %log1p3A_660 : vector<1024x64xf32>
    %log3A_662 = math.log %add3A_661 : vector<1024x64xf32>
    %reduce_sum3A_663 = arith.constant dense<0.000000e+00> : vector<1024xf32>
    %reduce_sum3A_664 = vector.multi_reduction <add>, %log3A_662, %reduce_sum3A_663 [1] : vector<1024x64xf32> to vector<1024xf32>
    %jit3A_665 = arith.constant -23.0258503 : f32
    %jit3A_666 = arith.constant 9.21034049 : f32
    %max3A_667 = vector.broadcast %jit3A_665 : f32 to vector<1024xf32>
    %max3A_668 = arith.maximumf %max3A_667, %reduce_sum3A_664 : vector<1024xf32>
    %min3A_669 = vector.broadcast %jit3A_666 : f32 to vector<1024xf32>
    %min3A_670 = arith.minimumf %min3A_669, %max3A_668 : vector<1024xf32>
    %sub3A_671 = arith.subf %add3A_648, %add3A_642 : vector<1024x64xf32>
    %max3A_672 = arith.constant 0.000000e+00 : f32
    %max3A_673 = vector.broadcast %max3A_672 : f32 to vector<1024x64xf32>
    %max3A_674 = arith.maximumf %sub3A_671, %max3A_673 : vector<1024x64xf32>
    %abs3A_675 = math.absf %sub3A_671 : vector<1024x64xf32>
    %neg3A_676 = arith.constant 0.000000e+00 : f32
    %neg3A_677 = vector.broadcast %neg3A_676 : f32 to vector<1024x64xf32>
    %neg3A_678 = arith.subf %neg3A_677, %abs3A_675 : vector<1024x64xf32>
    %exp3A_679 = math.exp %neg3A_678 : vector<1024x64xf32>
    %log1p3A_680 = math.log1p %exp3A_679 : vector<1024x64xf32>
    %add3A_681 = arith.addf %max3A_674, %log1p3A_680 : vector<1024x64xf32>
    %log3A_682 = math.log %add3A_681 : vector<1024x64xf32>
    %reduce_sum3A_683 = arith.constant dense<0.000000e+00> : vector<1024xf32>
    %reduce_sum3A_684 = vector.multi_reduction <add>, %log3A_682, %reduce_sum3A_683 [1] : vector<1024x64xf32> to vector<1024xf32>
    %jit3A_685 = arith.constant -23.0258503 : f32
    %jit3A_686 = arith.constant 9.21034049 : f32
    %max3A_687 = vector.broadcast %jit3A_685 : f32 to vector<1024xf32>
    %max3A_688 = arith.maximumf %max3A_687, %reduce_sum3A_684 : vector<1024xf32>
    %min3A_689 = vector.broadcast %jit3A_686 : f32 to vector<1024xf32>
    %min3A_690 = arith.minimumf %min3A_689, %max3A_688 : vector<1024xf32>
    %sub3A_691 = arith.subf %min3A_670, %min3A_690 : vector<1024xf32>
    %exp3A_692 = math.exp %sub3A_691 : vector<1024xf32>
    %reduce_sum3A_693 = vector.shape_cast %exp3A_692 : vector<1024xf32> to vector<1x1024xf32>
    %reduce_sum3A_694 = arith.constant dense<0.000000e+00> : vector<1xf32>
    %reduce_sum3A_695 = vector.multi_reduction <add>, %reduce_sum3A_693, %reduce_sum3A_694 [1] : vector<1x1024xf32> to vector<1xf32>
    %reduce_sum3A_696 = vector.shape_cast %reduce_sum3A_695 : vector<1xf32> to vector<1x1xf32>
    %reduce_sum3A_697 = vector.extract %reduce_sum3A_696[0, 0] : f32 from vector<1x1xf32>
    %sub3A_698 = arith.constant 1.000000e+00 : f32
    %sub3A_699 = vector.broadcast %sub3A_698 : f32 to vector<1024x64xf32>
    %sub3A_700 = arith.subf %add3A_648, %sub3A_699 : vector<1024x64xf32>
    %add3A_701 = arith.constant 9.99999993E-9 : f32
    %add3A_702 = vector.broadcast %add3A_701 : f32 to vector<1024x64xf32>
    %add3A_703 = arith.addf %sub3A_700, %add3A_702 : vector<1024x64xf32>
    %max3A_704 = arith.constant 0.000000e+00 : f32
    %max3A_705 = vector.broadcast %max3A_704 : f32 to vector<1024x64xf32>
    %max3A_706 = arith.maximumf %add3A_703, %max3A_705 : vector<1024x64xf32>
    %reduce_sum3A_707 = vector.shape_cast %max3A_706 : vector<1024x64xf32> to vector<1x1024x64xf32>
    %reduce_sum3A_708 = arith.constant dense<0.000000e+00> : vector<1xf32>
    %reduce_sum3A_709 = vector.multi_reduction <add>, %reduce_sum3A_707, %reduce_sum3A_708 [1, 2] : vector<1x1024x64xf32> to vector<1xf32>
    %reduce_sum3A_710 = vector.shape_cast %reduce_sum3A_709 : vector<1xf32> to vector<1x1x1xf32>
    %reduce_sum3A_711 = vector.extract %reduce_sum3A_710[0, 0, 0] : f32 from vector<1x1x1xf32>
    %mul3A_712 = arith.mulf %add3A_642, %add3A_642 : vector<1024x64xf32>
    %reduce_sum3A_713 = vector.shape_cast %mul3A_712 : vector<1024x64xf32> to vector<1x1024x64xf32>
    %reduce_sum3A_714 = arith.constant dense<0.000000e+00> : vector<1xf32>
    %reduce_sum3A_715 = vector.multi_reduction <add>, %reduce_sum3A_713, %reduce_sum3A_714 [1, 2] : vector<1x1024x64xf32> to vector<1xf32>
    %reduce_sum3A_716 = vector.shape_cast %reduce_sum3A_715 : vector<1xf32> to vector<1x1x1xf32>
    %reduce_sum3A_717 = vector.extract %reduce_sum3A_716[0, 0, 0] : f32 from vector<1x1x1xf32>
    %sub3A_718 = arith.constant 1.000000e+00 : f32
    %sub3A_719 = vector.broadcast %sub3A_718 : f32 to vector<1024x64xf32>
    %sub3A_720 = arith.subf %squeeze3A_632, %sub3A_719 : vector<1024x64xf32>
    %add3A_721 = arith.constant 9.99999993E-9 : f32
    %add3A_722 = vector.broadcast %add3A_721 : f32 to vector<1024x64xf32>
    %add3A_723 = arith.addf %sub3A_720, %add3A_722 : vector<1024x64xf32>
    %max3A_724 = arith.constant 0.000000e+00 : f32
    %max3A_725 = vector.broadcast %max3A_724 : f32 to vector<1024x64xf32>
    %max3A_726 = arith.maximumf %add3A_723, %max3A_725 : vector<1024x64xf32>
    %reduce_sum3A_727 = vector.shape_cast %max3A_726 : vector<1024x64xf32> to vector<1x1024x64xf32>
    %reduce_sum3A_728 = arith.constant dense<0.000000e+00> : vector<1xf32>
    %reduce_sum3A_729 = vector.multi_reduction <add>, %reduce_sum3A_727, %reduce_sum3A_728 [1, 2] : vector<1x1024x64xf32> to vector<1xf32>
    %reduce_sum3A_730 = vector.shape_cast %reduce_sum3A_729 : vector<1xf32> to vector<1x1x1xf32>
    %reduce_sum3A_731 = vector.extract %reduce_sum3A_730[0, 0, 0] : f32 from vector<1x1x1xf32>
    %mul3A_732 = arith.mulf %squeeze3A_630, %squeeze3A_630 : vector<1024x64xf32>
    %reduce_sum3A_733 = vector.shape_cast %mul3A_732 : vector<1024x64xf32> to vector<1x1024x64xf32>
    %reduce_sum3A_734 = arith.constant dense<0.000000e+00> : vector<1xf32>
    %reduce_sum3A_735 = vector.multi_reduction <add>, %reduce_sum3A_733, %reduce_sum3A_734 [1, 2] : vector<1x1024x64xf32> to vector<1xf32>
    %reduce_sum3A_736 = vector.shape_cast %reduce_sum3A_735 : vector<1xf32> to vector<1x1x1xf32>
    %reduce_sum3A_737 = vector.extract %reduce_sum3A_736[0, 0, 0] : f32 from vector<1x1x1xf32>
    %sub3A_738 = arith.constant 1.000000e+00 : f32
    %sub3A_739 = vector.broadcast %sub3A_738 : f32 to vector<1024x64xf32>
    %sub3A_740 = arith.subf %squeeze3A_636, %sub3A_739 : vector<1024x64xf32>
    %add3A_741 = arith.constant 9.99999993E-9 : f32
    %add3A_742 = vector.broadcast %add3A_741 : f32 to vector<1024x64xf32>
    %add3A_743 = arith.addf %sub3A_740, %add3A_742 : vector<1024x64xf32>
    %max3A_744 = arith.constant 0.000000e+00 : f32
    %max3A_745 = vector.broadcast %max3A_744 : f32 to vector<1024x64xf32>
    %max3A_746 = arith.maximumf %add3A_743, %max3A_745 : vector<1024x64xf32>
    %reduce_sum3A_747 = vector.shape_cast %max3A_746 : vector<1024x64xf32> to vector<1x1024x64xf32>
    %reduce_sum3A_748 = arith.constant dense<0.000000e+00> : vector<1xf32>
    %reduce_sum3A_749 = vector.multi_reduction <add>, %reduce_sum3A_747, %reduce_sum3A_748 [1, 2] : vector<1x1024x64xf32> to vector<1xf32>
    %reduce_sum3A_750 = vector.shape_cast %reduce_sum3A_749 : vector<1xf32> to vector<1x1x1xf32>
    %reduce_sum3A_751 = vector.extract %reduce_sum3A_750[0, 0, 0] : f32 from vector<1x1x1xf32>
    %mul3A_752 = arith.mulf %squeeze3A_634, %squeeze3A_634 : vector<1024x64xf32>
    %reduce_sum3A_753 = vector.shape_cast %mul3A_752 : vector<1024x64xf32> to vector<1x1024x64xf32>
    %reduce_sum3A_754 = arith.constant dense<0.000000e+00> : vector<1xf32>
    %reduce_sum3A_755 = vector.multi_reduction <add>, %reduce_sum3A_753, %reduce_sum3A_754 [1, 2] : vector<1x1024x64xf32> to vector<1xf32>
    %reduce_sum3A_756 = vector.shape_cast %reduce_sum3A_755 : vector<1xf32> to vector<1x1x1xf32>
    %reduce_sum3A_757 = vector.extract %reduce_sum3A_756[0, 0, 0] : f32 from vector<1x1x1xf32>
    %stack3A = vector.broadcast %reduce_sum3A_62 : f32 to vector<1xf32>
    %stack3A_758 = vector.broadcast %reduce_sum3A_167 : f32 to vector<1xf32>
    %stack3A_759 = vector.broadcast %reduce_sum3A_319 : f32 to vector<1xf32>
    %stack3A_760 = vector.broadcast %reduce_sum3A_450 : f32 to vector<1xf32>
    %stack3A_761 = vector.broadcast %reduce_sum3A_588 : f32 to vector<1xf32>
    %stack3A_762 = vector.broadcast %reduce_sum3A_697 : f32 to vector<1xf32>
    %stack3A_763 = vector.broadcast %reduce_sum3A_76 : f32 to vector<1xf32>
    %stack3A_764 = vector.broadcast %reduce_sum3A_81 : f32 to vector<1xf32>
    %stack3A_765 = vector.broadcast %reduce_sum3A_95 : f32 to vector<1xf32>
    %stack3A_766 = vector.broadcast %reduce_sum3A_101 : f32 to vector<1xf32>
    %stack3A_767 = vector.broadcast %reduce_sum3A_181 : f32 to vector<1xf32>
    %stack3A_768 = vector.broadcast %reduce_sum3A_187 : f32 to vector<1xf32>
    %stack3A_769 = vector.broadcast %reduce_sum3A_201 : f32 to vector<1xf32>
    %stack3A_770 = vector.broadcast %reduce_sum3A_207 : f32 to vector<1xf32>
    %stack3A_771 = vector.broadcast %reduce_sum3A_221 : f32 to vector<1xf32>
    %stack3A_772 = vector.broadcast %reduce_sum3A_227 : f32 to vector<1xf32>
    %stack3A_773 = vector.broadcast %reduce_sum3A_241 : f32 to vector<1xf32>
    %stack3A_774 = vector.broadcast %reduce_sum3A_247 : f32 to vector<1xf32>
    %stack3A_775 = vector.broadcast %reduce_sum3A_333 : f32 to vector<1xf32>
    %stack3A_776 = vector.broadcast %reduce_sum3A_339 : f32 to vector<1xf32>
    %stack3A_777 = vector.broadcast %reduce_sum3A_353 : f32 to vector<1xf32>
    %stack3A_778 = vector.broadcast %reduce_sum3A_359 : f32 to vector<1xf32>
    %stack3A_779 = vector.broadcast %reduce_sum3A_373 : f32 to vector<1xf32>
    %stack3A_780 = vector.broadcast %reduce_sum3A_379 : f32 to vector<1xf32>
    %stack3A_781 = vector.broadcast %reduce_sum3A_464 : f32 to vector<1xf32>
    %stack3A_782 = vector.broadcast %reduce_sum3A_470 : f32 to vector<1xf32>
    %stack3A_783 = vector.broadcast %reduce_sum3A_484 : f32 to vector<1xf32>
    %stack3A_784 = vector.broadcast %reduce_sum3A_490 : f32 to vector<1xf32>
    %stack3A_785 = vector.broadcast %reduce_sum3A_504 : f32 to vector<1xf32>
    %stack3A_786 = vector.broadcast %reduce_sum3A_510 : f32 to vector<1xf32>
    %stack3A_787 = vector.broadcast %reduce_sum3A_602 : f32 to vector<1xf32>
    %stack3A_788 = vector.broadcast %reduce_sum3A_608 : f32 to vector<1xf32>
    %stack3A_789 = vector.broadcast %reduce_sum3A_622 : f32 to vector<1xf32>
    %stack3A_790 = vector.broadcast %reduce_sum3A_628 : f32 to vector<1xf32>
    %stack3A_791 = vector.broadcast %reduce_sum3A_711 : f32 to vector<1xf32>
    %stack3A_792 = vector.broadcast %reduce_sum3A_717 : f32 to vector<1xf32>
    %stack3A_793 = vector.broadcast %reduce_sum3A_731 : f32 to vector<1xf32>
    %stack3A_794 = vector.broadcast %reduce_sum3A_737 : f32 to vector<1xf32>
    %stack3A_795 = vector.broadcast %reduce_sum3A_751 : f32 to vector<1xf32>
    %stack3A_796 = vector.broadcast %reduce_sum3A_757 : f32 to vector<1xf32>
    %stack3A_797 = tpu.concatenate %stack3A, %stack3A_758, %stack3A_759, %stack3A_760, %stack3A_761, %stack3A_762, %stack3A_763, %stack3A_764, %stack3A_765, %stack3A_766, %stack3A_767, %stack3A_768, %stack3A_769, %stack3A_770, %stack3A_771, %stack3A_772, %stack3A_773, %stack3A_774, %stack3A_775, %stack3A_776, %stack3A_777, %stack3A_778, %stack3A_779, %stack3A_780, %stack3A_781, %stack3A_782, %stack3A_783, %stack3A_784, %stack3A_785, %stack3A_786, %stack3A_787, %stack3A_788, %stack3A_789, %stack3A_790, %stack3A_791, %stack3A_792, %stack3A_793, %stack3A_794, %stack3A_795, %stack3A_796 in 0 : vector<1xf32>, vector<1xf32>, vector<1xf32>, vector<1xf32>, vector<1xf32>, vector<1xf32>, vector<1xf32>, vector<1xf32>, vector<1xf32>, vector<1xf32>, vector<1xf32>, vector<1xf32>, vector<1xf32>, vector<1xf32>, vector<1xf32>, vector<1xf32>, vector<1xf32>, vector<1xf32>, vector<1xf32>, vector<1xf32>, vector<1xf32>, vector<1xf32>, vector<1xf32>, vector<1xf32>, vector<1xf32>, vector<1xf32>, vector<1xf32>, vector<1xf32>, vector<1xf32>, vector<1xf32>, vector<1xf32>, vector<1xf32>, vector<1xf32>, vector<1xf32>, vector<1xf32>, vector<1xf32>, vector<1xf32>, vector<1xf32>, vector<1xf32>, vector<1xf32> -> vector<40xf32>
    %broadcast_in_dim3A = arith.constant 0.000000e+00 : f32
    %broadcast_in_dim3A_798 = vector.broadcast %broadcast_in_dim3A : f32 to vector<88xf32>
    %concatenate3A = tpu.concatenate %stack3A_797, %broadcast_in_dim3A_798 in 0 : vector<40xf32>, vector<88xf32> -> vector<128xf32>
    %eq3A = arith.constant 0 : i32
    %eq3A_799 = arith.cmpi eq, %arg0, %eq3A : i32
    %convert_element_type3A = arith.extui %eq3A_799 : i1 to i32
    %cond3A = arith.constant 0 : i32
    %cond3A_800 = arith.cmpi ne, %convert_element_type3A, %cond3A : i32
    scf.if %cond3A_800 {
      %swap3A = arith.constant 0 : index
      %swap3A_805 = vector.load %arg3[%swap3A] : memref<128xf32, #tpu.memory_space<vmem>>, vector<128xf32>
      tpu.vector_store %arg3[%swap3A], %concatenate3A {strides = array<i32>} : memref<128xf32, #tpu.memory_space<vmem>>, vector<128xf32>,
    } else {
    }
    %ne3A = arith.constant 0 : i32
    %ne3A_801 = arith.cmpi ne, %arg0, %ne3A : i32
    %convert_element_type3A_802 = arith.extui %ne3A_801 : i1 to i32
    %cond3A_803 = arith.constant 0 : i32
    %cond3A_804 = arith.cmpi ne, %convert_element_type3A_802, %cond3A_803 : i32
    scf.if %cond3A_804 {
      %get3A_805 = arith.constant 0 : index
      %get3A_806 = vector.load %arg3[%get3A_805] : memref<128xf32, #tpu.memory_space<vmem>>, vector<128xf32>
      %add3A_807 = arith.addf %get3A_806, %concatenate3A : vector<128xf32>
      %swap3A = arith.constant 0 : index
      %swap3A_808 = vector.load %arg3[%swap3A] : memref<128xf32, #tpu.memory_space<vmem>>, vector<128xf32>
      tpu.vector_store %arg3[%swap3A], %add3A_807 {strides = array<i32>} : memref<128xf32, #tpu.memory_space<vmem>>, vector<128xf32>,
    } else {
    }
    return
  }
  func.func @transform_0(%arg0: i32) -> (i32, i32, i32) {
    %c0_i32 = arith.constant 0 : i32
    %c0_i32_0 = arith.constant 0 : i32
    %c0_i32_1 = arith.constant 0 : i32
    return %c0_i32, %arg0, %c0_i32_0 : i32, i32, i32
  }
  func.func @transform_1(%arg0: i32) -> (i32, i32, i32) {
    %c0_i32 = arith.constant 0 : i32
    %c0_i32_0 = arith.constant 0 : i32
    %c0_i32_1 = arith.constant 0 : i32
    return %c0_i32, %arg0, %c0_i32_0 : i32, i32, i32
  }
  func.func @transform_2(%arg0: i32) -> i32 {
    %c0_i32 = arith.constant 0 : i32
    %c0_i32_0 = arith.constant 0 : i32
    return %c0_i32 : i32
  }
}

</mosaic_0001>

<sc_bundles>
// kernel: kernel.5.cloned.1.call-start
scs
__scs_entry_jumppad:
0x0: {  	(pc) =	sbr.rel $0x88, $3  }
0x1: {  	(tag) =	ssettag $0x0;
	lr =	simm.s32 $0x1  }
0x2: {  	[smem:$0x3F97] =	sst lr;
	_ =	strace $0xD0000000  }
0x3: {  	_ = 	snop  }
0x4: {  	_ = 	snop  }
0x5: {  	_ = 	snop  }
0x6: {  	_ = 	snop  }
0x7: {  	_ = 	snop  }
__scs_overlays_trampoline_lowered:
0x8: {  	[smem:$0x3FA6] =	sst s0  }
0x9: {  	[smem:$0x3FA7] =	sst s1  }
0xa: {  	[smem:$0x3FA8] =	sst s2  }
0xb: {  	[smem:$0x3FA9] =	sst s3  }
0xc: {  	[smem:$0x3FAA] =	sst s4  }
0xd: {  	[smem:$0x3FAB] =	sst s5  }
0xe: {  	[smem:$0x3FAC] =	sst s6  }
0xf: {  	[smem:$0x3FAD] =	sst s7  }
0x10: {  	[smem:$0x3FAE] =	sst s8  }
0x11: {  	[smem:$0x3FAF] =	sst s9;
	s0 =	simm.s32 @!p0 $0x0  }
0x12: {  	s1 =	sld [smem:$0x3F95];
	s0 =	simm.s32 @p0 $0x1  }
0x13: {  	[smem:$0x3FB0] =	sst s0;
	s0 =	simm.s32 @!p1 $0x0  }
0x14: {  	s2 =	sld [smem:$0x3F94];
	s0 =	simm.s32 @p1 $0x1  }
0x15: {  	[smem:$0x3FB1] =	sst s0;
	s0 =	simm.s32 @!p2 $0x0  }
0x16: {  	s3 =	sld [smem:$0x3FDB];
	s0 =	simm.s32 @p2 $0x1  }
0x17: {  	s4 =	simm.s32 $0x1BF5;
	[smem:$0x3FB3] =	sst s0  }
0x18: {  	s0 =	sld [smem:$0x3F96];
	_ =	swait.ge [sflag:s4], $0x0  }
0x19: {  	s7 =	sld [smem:$0x3F97]  }
0x1a: {  	s8 =	sadd.s32 $0xFFFFE003, lr  }
0x1b: {  	s9 =	sadd.s32 $0xFFFFFEF7, lr;
	s5 =	simm.s32 $0xFFFFFFFF;
	p2 =	slt.u32 s8, $0xFFFFF086  }
0x1c: {  	p1 =	slt.u32 s9, $0xF7A;
	s5 =	simm.s32 @!p2 $0x0  }
0x1d: {  	s5 =	simm.s32 @p1 $0x1;
	p0 =	seq.s32 s7, s2  }
0x1e: {  	s7 =	smul.u32 @!p0 $0xF7A, s2;
	p2 =	seq.s32 @!p0 s5, $0x0  }
0x1f: {  	s9 =	smul.u32 $0xF7A, s1;
	s8 =	simm.s32 @!p0 $0x1BF5;
	p2 =	por !p2, p0  }
0x20: {  	[sflag:s8] =	ssyncset.s32 @!p0 $0xFFFFF086;
	s6 =	sadd.s32 @!p0 s3, s7;
	s7 =	simm.s32 @!p0 $0x108  }
0x21: {  	s3 =	sadd.s32 s3, s9;
	s6 =	sadd.s32 @!p0 $0x88, s6;
	s7 =	simm.s32 @p2 $0x1082  }
0x22: {  	[simem:s7], [sflag:s8] =	dma.local @!p0 [hbm:s6], $0xF7A  }
0x23: {  	s9 =	sor.u32 $0xD0000000, s2;
	s6 =	simm.s32 $0x108;
	_ =	swait.ge @!p0 [sflag:s8], $0x0  }
0x24: {  	s3 =	sadd.s32 $0x88, s3;
	s6 =	simm.s32 @!p1 $0x1082;
	[sflag:s4] =	ssyncset.s32 $0xFFFFF086  }
0x25: {  	[simem:s6], [sflag:s4] =	dma.local [hbm:s3], $0xF7A  }
0x26: {  	[smem:$0x3F97] =	sst s1;
	(tag) =	ssettag s2;
	_ =	strace s9  }
0x27: {  	s1 =	sld [smem:$0x3FA7]  }
0x28: {  	s2 =	sld [smem:$0x3FA8]  }
0x29: {  	s4 =	sld [smem:$0x3FAA]  }
0x2a: {  	p0 =	seq.s32 s5, $0x0;
	s5 =	sld [smem:$0x3FAB]  }
0x2b: {  	s6 =	sld [smem:$0x3FAC]  }
0x2c: {  	s7 =	sld [smem:$0x3FAD]  }
0x2d: {  	s3 =	simm.s32 $0x108;
	s8 =	sld [smem:$0x3FAE]  }
0x2e: {  	s3 =	simm.s32 @!p0 $0x1082;
	s9 =	sld [smem:$0x3FAF]  }
0x2f: {  	lr =	sadd.s32 s0, s3;
	s0 =	sld [smem:$0x3FA6]  }
0x30: {  	s3 =	sld [smem:$0x3FA9]  }
0x31: {  	[smem:$0x3FB2] =	sst s10  }
0x32: {  	s10 =	sld [smem:$0x3FB0];
	_ =	sdelay $0x3  }
0x33: {  	p0 =	seq.s32 s10, $0x1;
	s10 =	sld [smem:$0x3FB2];
	_ =	sdelay $0x3  }
0x34: {  	[smem:$0x3FB2] =	sst s10  }
0x35: {  	s10 =	sld [smem:$0x3FB1];
	_ =	sdelay $0x3  }
0x36: {  	p1 =	seq.s32 s10, $0x1;
	s10 =	sld [smem:$0x3FB2];
	_ =	sdelay $0x3  }
0x37: {  	[smem:$0x3FB2] =	sst s10  }
0x38: {  	s10 =	sld [smem:$0x3FB3]  }
0x39: {  	_ = 	snop;
	(pc) =	sbr.ind lr, $3  }
0x3a: {  	_ = 	snop  }
0x3b: {  	_ = 	snop  }
0x3c: {  	p2 =	seq.s32 s10, $0x1;
	s10 =	sld [smem:$0x3FB2]  }
0x3d: {  	_ =	shalt  }
0x3e: {  	_ =	shalt  }
0x3f: {  	_ =	shalt  }
0x40: {  	_ =	shalt  }
0x41: {  	_ =	shalt  }
0x42: {  	_ =	shalt  }
0x43: {  	_ =	shalt  }
0x44: {  	_ =	shalt  }
0x45: {  	_ =	shalt  }
0x46: {  	_ =	shalt  }
0x47: {  	_ =	shalt  }
0x48: {  	_ =	shalt  }
0x49: {  	_ =	shalt  }
0x4a: {  	_ =	shalt  }
0x4b: {  	_ =	shalt  }
0x4c: {  	_ =	shalt  }
0x4d: {  	_ =	shalt  }
0x4e: {  	_ =	shalt  }
0x4f: {  	_ =	shalt  }
0x50: {  	_ =	shalt  }
0x51: {  	_ =	shalt  }
0x52: {  	_ =	shalt  }
0x53: {  	_ =	shalt  }
0x54: {  	_ =	shalt  }
0x55: {  	_ =	shalt  }
0x56: {  	_ =	shalt  }
0x57: {  	_ =	shalt  }
0x58: {  	_ =	shalt  }
0x59: {  	_ =	shalt  }
0x5a: {  	_ =	shalt  }
0x5b: {  	_ =	shalt  }
0x5c: {  	_ =	shalt  }
0x5d: {  	_ =	shalt  }
0x5e: {  	_ =	shalt  }
0x5f: {  	_ =	shalt  }
0x60: {  	_ =	shalt  }
0x61: {  	_ =	shalt  }
0x62: {  	_ =	shalt  }
0x63: {  	_ =	shalt  }
0x64: {  	_ =	shalt  }
0x65: {  	_ =	shalt  }
0x66: {  	_ =	shalt  }
0x67: {  	_ =	shalt  }
0x68: {  	_ =	shalt  }
0x69: {  	_ =	shalt  }
0x6a: {  	_ =	shalt  }
0x6b: {  	_ =	shalt  }
0x6c: {  	_ =	shalt  }
0x6d: {  	_ =	shalt  }
0x6e: {  	_ =	shalt  }
0x6f: {  	_ =	shalt  }
0x70: {  	_ =	shalt  }
0x71: {  	_ =	shalt  }
0x72: {  	_ =	shalt  }
0x73: {  	_ =	shalt  }
0x74: {  	_ =	shalt  }
0x75: {  	_ =	shalt  }
0x76: {  	_ =	shalt  }
0x77: {  	_ =	shalt  }
0x78: {  	_ =	shalt  }
0x79: {  	_ =	shalt  }
0x7a: {  	_ =	shalt  }
0x7b: {  	_ =	shalt  }
0x7c: {  	_ =	shalt  }
0x7d: {  	_ =	shalt  }
0x7e: {  	_ =	shalt  }
0x7f: {  	_ =	shalt  }
0x80: {  	_ =	shalt  }
0x81: {  	_ =	shalt  }
0x82: {  	_ =	shalt  }
0x83: {  	_ =	shalt  }
0x84: {  	_ =	shalt  }
0x85: {  	_ =	shalt  }
0x86: {  	_ =	shalt  }
0x87: {  	_ =	shalt  }
.Lfunc_end0:
.L_simem_size_0:
called_computation_lowered:
.L_overlay_start_0:
0x88: {  	s2 =	sld [smem:$0x3FD9]  }
0x89: {  	s3 =	sld [smem:$0x3FFE];
	_ =	sdelay $0x1  }
0x8a: {  	s1 =	srdreg.scid  }
0x8b: {  	s0 =	sand.u32 $0x1, s1  }
0x8c: {  	s16 =	sshll.u32 s0, $0xA;
	s2 =	sadd.s32 s3, s2  }
0x8d: {  	s2 =	sadd.s32 s2, s16  }
0x8e: {  	[smem:$0x3FBE] =	sst s2  }
0x8f: {  	_ = 	snop  }
0x90: {  	(tm) =	ssettm $0x1  }
0x91: {  	s17 =	sld [smem:$0x3FFB];
	_ =	sdelay $0x3  }
0x92: {  	_ =	strace s17  }
0x93: {  	s2 =	sld [smem:$0x3FFC];
	_ =	sdelay $0x3  }
0x94: {  	_ =	strace s2  }
0x95: {  	s2 =	sld [smem:$0x3FFD];
	_ =	sdelay $0x3  }
0x96: {  	_ =	strace s2  }
0x97: {  	_ =	strace $0x8FFFFFFF  }
0x98: {  	s18 =	sld [smem:$0x3FDB];
	_ =	sdelay $0x1  }
0x99: {  	s19 =	simm.s32 $_scs_section_size  }
0x9a: {  	s4 =	simm.s32 $_size__tile_overlayer_lowered;
	s5 =	simm.s32 $_tile_overlayer_lowered  }
0x9b: {  	s22 =	simm.s32 $0x1BFF;
	s21 =	sshll.u32 s5, $0x1;
	s2 =	sadd.s32 s19, s18  }
0x9c: {  	s6 =	simm.s32 $0x0;
	s20 =	sshll.u32 s4, $0x1;
	s4 =	sadd.s32 s21, s2  }
0x9d: {  	[timem:s6], [sflag:s22] =	dma.local [hbm:s4], s20  }
0x9e: {  	_ =	swait.ge [sflag:s22], s20  }
0x9f: {  	s3 =	ssub.s32 $0x0, s20;
	[sflag:s22] =	ssyncset.done $0x0  }
0xa0: {  	[sflag:s22] =	ssyncadd.s32 s3;
	_ =	sdelay $0x1  }
0xa1: {  	s23 =	simm.s32 $0x1B8B  }
0xa2: {  	_ =	swait.ge [sflag:s23], $0x1  }
0xa3: {  	[sflag:s23] =	ssyncset.done $0x0  }
0xa4: {  	s25 =	simm.s32 $0x1B8E;
	s24 =	sld [smem:$0x3FFE];
	[sflag:s23] =	ssyncadd.s32 $0xFFFFFFFF  }
0xa5: {  	s26 =	simm.s32 $execute0_lowered;
	[smem:$0x3FD2] =	sst s25  }
0xa6: {  	s4 =	sshll.u32 s26, $0x1;
	_ =	strace $0x80000046;
	[dreg:$0x1] =	wrdreg $0xFFFFFFFF  }
0xa7: {  	s28 =	simm.s32 $_size_execute0_lowered;
	s2 =	sadd.s32 s2, s4;
	[dreg:$0x0] =	wrdreg $0x0  }
0xa8: {  	s4 =	sshll.u32 s28, $0x1;
	[dreg:$0x2] =	wrdreg s2  }
0xa9: {  	[dreg:$0x3] =	wrdreg s4  }
0xaa: {  	[dreg:$0x4] =	wrdreg $0xC0  }
0xab: {  	_ =	task [dreg:s6], $0x5FFFF  }
0xac: {  	[dreg:$0x1] =	wrdreg $0xFFFFFFFF  }
0xad: {  	[dreg:$0x0] =	wrdreg $0x60  }
0xae: {  	[dreg:$0x2] =	wrdreg s24  }
0xaf: {  	[dreg:$0x3] =	wrdreg $0x9  }
0xb0: {  	_ =	task.clear_ibuf [dreg:s6], $0x4FFFF;
	_ =	strace $0x90000046  }
0xb1: {  	s29 =	simm.s32 $0x9;
	_ =	strace $0x80000048  }
0xb2: {  	_ =	swait.ge [sflag:s29], $0x1  }
0xb3: {  	[sflag:s29] =	ssyncadd.s32 $0xFFFFFFFF  }
0xb4: {  	_ =	strace $0x90000048  }
0xb5: {  	_ =	sfence  }
0xb6: {  	s30 =	sld [smem:$0x0];
	_ =	sdelay $0x2  }
0xb7: {  	s31 =	sshll.u32 s1, $0xD;
	s1 =	sshrl.u32 s1, $0x2  }
0xb8: {  	s3 =	sand.u32 $0x4000, s31;
	s1 =	sadd.s32 s1, s30  }
0xb9: {  	s0 =	sor.u32 s3, s0;
	s1 =	sshll.u32 s1, $0x11  }
0xba: {  	s0 =	sor.u32 s1, s0  }
0xbb: {  	s0 =	sadd.s32 $0x8F2B, s0  }
0xbc: {  	[sflag:s0] =	ssyncadd.remote.s32 $0x1  }
0xbd: {  	_ =	sfence.sel $0xFFFF  }
0xbe: {  	[dreg:$0x0] =	wrdreg $0xFFFFFFFF;
	(pc) =	sbr.abs _section_cstart, $3  }
0xbf: {  	[dreg:$0x1] =	wrdreg $0xFFFFFFFF  }
0xc0: {  	_ =	task.clear_ibuf [dreg:s6], $0x2FFFF;
	_ =	strace $0x9FFFFFFF  }
0xc1: {  	(tm) =	ssettm $0x7FFFFFFF  }
tec
execute0_lowered:
.L_overlay_start_1:
0x0: {  	(tag) =	ssettag $0x1  }
0x1: {  	s0 =	srdreg.scid;
	s3 =	stileid.u32  }
0x2: {  	s5 =	rddreg [dreg:$0x0];
	s2 =	simm.s32 $0x0;
	s21 =	simm.s32 $0x3  }
0x3: {  	s22 =	simm.s32 $0x1A00;
	s23 =	simm.s32 $0x80;
	s24 =	simm.s32 $0x2000  }
0x4: {  	s0 =	sand.u32 $0x1, s0;
	s1 =	sshll.u32 s3, $0x1;
	s7 =	smul.u32 $0x34000, s3  }
0x5: {  	s1 =	sor.u32 s0, s1;
	s10 =	ssub.s32 $0x2, s0;
	s0 =	smul.u32 $0x1A000, s0  }
0x6: {  	s25 =	simm.s32 $0x6000;
	s26 =	simm.s32 $0x1;
	s4 =	smul.u32 $0x1A00, s1  }
0x7: {  	s28 =	simm.s32 $0x2;
	s30 =	simm.s32 $0x0;
	s6 =	smul.u32 $0xC0, s1  }
0x8: {  	[smem:$0x7FF] =	sst s2;
	s1 =	smul.u32 $0x6000, s1;
	s19 =	sadd.s32 s7, s5  }
0x9: {  	s3 =	sadd.s32 $0xE000, s5;
	_ =	strace $0x80000047;
	s0 =	sadd.s32 s0, s19  }
0xa: {  	s8 =	sshrl.u32 s4, $0x3;
	s4 =	sadd.s32 $0xA000, s5;
	s1 =	sadd.s32 s1, s5  }
0xb: {  	s12 =	sadd.s32 s6, s5;
	s20 =	sadd.s32 $0xF50C00, s0;
	s6 =	sadd.s32 $0x1290400, s1  }
0xc: {  	s11 =	sshrl.u32 s10, $0x1;
	s7 =	sadd.s32 $0x1290C00, s1;
	s9 =	sadd.s32 $0x1291C00, s1  }
0xd: {  	s14 =	ssub.s32 s10, s11;
	s10 =	sadd.s32 $0x1292400, s1;
	s11 =	sadd.s32 $0x1292C00, s1  }
0xe: {  	s14 =	smax.u32 s14, $0x1;
	s13 =	sadd.s32 $0x1293400, s1;
	s15 =	sadd.s32 $0x1293C00, s1  }
0xf: {  	s8 =	sadd.s32 s8, s5;
	s16 =	sadd.s32 $0x1294400, s1;
	s17 =	sadd.s32 $0x1294C00, s1  }
0x10: {  	s12 =	sadd.s32 $0x2000, s12;
	s18 =	sadd.s32 $0x1295400, s1;
	s31 =	sadd.s32 $0x3800, s8  }
0x11: {  	s19 =	sadd.s32 $0x1295C00, s1;
	s8 =	sadd.s32 $0x1291400, s1;
	[dreg:$0x2] =	wrdreg s31  }
.LBB2_1:
0x12: {  	s0 =	rddreg [dreg:$0x2]  }
0x13: {  	[tilespmem:s2], [sflag:$0x3] =	stream.linear.gather [hbm4b:s0+s2], $0x1A00, $0x38;
	[tilespmem:$0xA000] =	vst v63  }
0x14: {  	_ =	swait.ge [sflag:s21], $0x1A00  }
0x15: {  	[sflag:s21] =	ssyncset.done $0x0  }
0x16: {  	[sflag:s21] =	ssyncadd.s32 $0xFFFFE600  }
0x17: {  	[tilespmem:s22], [sflag:$0x3] =	stream.linear.gather [hbm4b:s12+s2], $0x600, $0x38;
	[tilespmem:$0xA000] =	vst v63  }
0x18: {  	_ =	swait.ge [sflag:s21], $0x600  }
0x19: {  	[sflag:s21] =	ssyncset.done $0x0  }
0x1a: {  	s1 =	simm.s32 $0x0;
	[sflag:s21] =	ssyncadd.s32 $0xFFFFFA00  }
0x1b: {  	[tilespmem:s24], [sflag:$0x1] =	stream.indirect.gather [hbm4b:s3+s23], $0x80, s1, s23, $0xb8;
	[tilespmem:$0xA000] =	vst v63  }
0x1c: {  	s5 =	simm.s32 $0x80  }
0x1d: {  	[tilespmem:s25], [sflag:$0x2] =	stream.indirect.gather [hbm4b:s3+s23], $0x80, s5, s23, $0xb8;
	[tilespmem:$0xA000] =	vst v63  }
0x1e: {  	_ =	swait.ge [sflag:s26], $0x4000  }
0x1f: {  	[sflag:s26] =	ssyncset.done $0x0  }
0x20: {  	s29 =	sadd.s32 $0xFFFFF800, s20;
	[sflag:s26] =	ssyncadd.s32 $0xFFFFC000  }
0x21: {  	[hbm4b:s29+s2] =	stream.linear.scatter [tilespmem:s24], [sflag:$0x3], $0x4000, $0x38;
	[tilespmem:$0xA000] =	vst v63  }
0x22: {  	_ =	swait.ge [sflag:s21], $0x4000  }
0x23: {  	[sflag:s21] =	ssyncset.done $0x0  }
0x24: {  	[sflag:s21] =	ssyncadd.s32 $0xFFFFC000  }
0x25: {  	_ =	swait.ge [sflag:s28], $0x4000  }
0x26: {  	[sflag:s28] =	ssyncset.done $0x0  }
0x27: {  	[sflag:s28] =	ssyncadd.s32 $0xFFFFC000  }
0x28: {  	[hbm4b:s20+s2] =	stream.linear.scatter [tilespmem:s25], [sflag:$0x3], $0x4000, $0x38;
	[tilespmem:$0xA000] =	vst v63  }
0x29: {  	s31 =	sadd.s32 $0x1000, s20;
	_ =	swait.ge [sflag:s21], $0x4000  }
0x2a: {  	s0 =	simm.s32 $0x800;
	s1 =	simm.s32 $0x400;
	[sflag:s21] =	ssyncset.done $0x0  }
.LBB2_2:
0x2b: {  	s29 =	sshra.s32 s1, $0x2  }
0x2c: {  	[sflag:s21] =	ssyncadd.s32 $0xFFFFC000;
	s1 =	smov.u32 s0;
	s5 =	sadd.s32 $0x400, s0  }
0x2d: {  	[tilespmem:s24], [sflag:$0x1] =	stream.indirect.gather [hbm4b:s3+s23], $0x80, s29, s23, $0xb8;
	[tilespmem:$0xA000] =	vst v63  }
0x2e: {  	p0 =	sne.s32 s0, $0x6400;
	s0 =	sadd.s32 $0x80, s29  }
0x2f: {  	[tilespmem:s25], [sflag:$0x2] =	stream.indirect.gather [hbm4b:s3+s23], $0x80, s0, s23, $0xb8;
	[tilespmem:$0xA000] =	vst v63  }
0x30: {  	_ =	swait.ge [sflag:s26], $0x4000  }
0x31: {  	[sflag:s26] =	ssyncset.done $0x0  }
0x32: {  	s0 =	sadd.s32 $0xFFFFF800, s31;
	[sflag:s26] =	ssyncadd.s32 $0xFFFFC000  }
0x33: {  	[hbm4b:s0+s2] =	stream.linear.scatter [tilespmem:s24], [sflag:$0x3], $0x4000, $0x38;
	[tilespmem:$0xA000] =	vst v63  }
0x34: {  	_ =	swait.ge [sflag:s21], $0x4000  }
0x35: {  	[sflag:s21] =	ssyncset.done $0x0  }
0x36: {  	[sflag:s21] =	ssyncadd.s32 $0xFFFFC000  }
0x37: {  	_ =	swait.ge [sflag:s28], $0x4000  }
.Ltmp0:
0x38: {  	[sflag:s28] =	ssyncset.done $0x0;
	(pc) =	sbr.rel @p0 .LBB2_2-.Ltmp0, $4  }
0x39: {  	[sflag:s28] =	ssyncadd.s32 $0xFFFFC000  }
0x3a: {  	[hbm4b:s31+s2] =	stream.linear.scatter [tilespmem:s25], [sflag:$0x3], $0x4000, $0x38;
	[tilespmem:$0xA000] =	vst v63  }
0x3b: {  	_ =	swait.ge [sflag:s21], $0x4000  }
0x3c: {  	s0 =	smov.u32 s5;
	s31 =	sadd.s32 $0x1000, s31;
	[sflag:s21] =	ssyncset.done $0x0  }
0x3d: {  	s0 =	sshra.s32 s1, $0x2;
	[sflag:s21] =	ssyncadd.s32 $0xFFFFC000  }
0x3e: {  	[tilespmem:s24], [sflag:$0x1] =	stream.indirect.gather [hbm4b:s3+s23], $0x80, s0, s23, $0xb8;
	[tilespmem:$0xA000] =	vst v63  }
0x3f: {  	s0 =	sadd.s32 $0x80, s0  }
0x40: {  	[tilespmem:s25], [sflag:$0x2] =	stream.indirect.gather [hbm4b:s3+s23], $0x80, s0, s23, $0xb8;
	[tilespmem:$0xA000] =	vst v63  }
0x41: {  	_ =	swait.ge [sflag:s26], $0x4000  }
0x42: {  	[sflag:s26] =	ssyncset.done $0x0  }
0x43: {  	s1 =	sadd.s32 $0xFFFFF800, s31;
	[sflag:s26] =	ssyncadd.s32 $0xFFFFC000  }
0x44: {  	[hbm4b:s1+s2] =	stream.linear.scatter [tilespmem:s24], [sflag:$0x3], $0x4000, $0x38;
	[tilespmem:$0xA000] =	vst v63  }
0x45: {  	_ =	swait.ge [sflag:s21], $0x4000  }
0x46: {  	[sflag:s21] =	ssyncset.done $0x0  }
0x47: {  	[sflag:s21] =	ssyncadd.s32 $0xFFFFC000  }
0x48: {  	_ =	swait.ge [sflag:s28], $0x4000  }
0x49: {  	[sflag:s28] =	ssyncset.done $0x0  }
0x4a: {  	[sflag:s28] =	ssyncadd.s32 $0xFFFFC000  }
0x4b: {  	[hbm4b:s31+s2] =	stream.linear.scatter [tilespmem:s25], [sflag:$0x3], $0x4000, $0x38;
	[tilespmem:$0xA000] =	vst v63  }
0x4c: {  	_ =	swait.ge [sflag:s21], $0x4000  }
0x4d: {  	[sflag:s21] =	ssyncset.done $0x0  }
0x4e: {  	[sflag:s21] =	ssyncadd.s32 $0xFFFFC000  }
0x4f: {  	[tilespmem:s24], [sflag:$0x1] =	stream.indirect.gather [hbm4b:s4+s23], $0x80, s22, s23, $0xb8;
	[tilespmem:$0xA000] =	vst v63  }
0x50: {  	s5 =	simm.s32 $0x1A80  }
0x51: {  	[tilespmem:s25], [sflag:$0x2] =	stream.indirect.gather [hbm4b:s4+s23], $0x80, s5, s23, $0xb8;
	[tilespmem:$0xA000] =	vst v63  }
0x52: {  	_ =	swait.ge [sflag:s26], $0x4000  }
0x53: {  	[sflag:s26] =	ssyncset.done $0x0  }
0x54: {  	[sflag:s26] =	ssyncadd.s32 $0xFFFFC000  }
0x55: {  	[hbm4b:s6+s2] =	stream.linear.scatter [tilespmem:s24], [sflag:$0x3], $0x4000, $0x38;
	[tilespmem:$0xA000] =	vst v63  }
0x56: {  	_ =	swait.ge [sflag:s21], $0x4000  }
0x57: {  	[sflag:s21] =	ssyncset.done $0x0  }
0x58: {  	[sflag:s21] =	ssyncadd.s32 $0xFFFFC000  }
0x59: {  	_ =	swait.ge [sflag:s28], $0x4000  }
0x5a: {  	[sflag:s28] =	ssyncset.done $0x0  }
0x5b: {  	[sflag:s28] =	ssyncadd.s32 $0xFFFFC000  }
0x5c: {  	[hbm4b:s7+s2] =	stream.linear.scatter [tilespmem:s25], [sflag:$0x3], $0x4000, $0x38;
	[tilespmem:$0xA000] =	vst v63  }
0x5d: {  	_ =	swait.ge [sflag:s21], $0x4000  }
0x5e: {  	[sflag:s21] =	ssyncset.done $0x0  }
0x5f: {  	s29 =	simm.s32 $0x1B00;
	[sflag:s21] =	ssyncadd.s32 $0xFFFFC000  }
0x60: {  	[tilespmem:s24], [sflag:$0x1] =	stream.indirect.gather [hbm4b:s4+s23], $0x80, s29, s23, $0xb8;
	[tilespmem:$0xA000] =	vst v63  }
0x61: {  	s31 =	simm.s32 $0x1B80  }
0x62: {  	[tilespmem:s25], [sflag:$0x2] =	stream.indirect.gather [hbm4b:s4+s23], $0x80, s31, s23, $0xb8;
	[tilespmem:$0xA000] =	vst v63  }
0x63: {  	_ =	swait.ge [sflag:s26], $0x4000  }
0x64: {  	[sflag:s26] =	ssyncset.done $0x0  }
0x65: {  	[sflag:s26] =	ssyncadd.s32 $0xFFFFC000  }
0x66: {  	[hbm4b:s8+s2] =	stream.linear.scatter [tilespmem:s24], [sflag:$0x3], $0x4000, $0x38;
	[tilespmem:$0xA000] =	vst v63  }
0x67: {  	_ =	swait.ge [sflag:s21], $0x4000  }
0x68: {  	[sflag:s21] =	ssyncset.done $0x0  }
0x69: {  	[sflag:s21] =	ssyncadd.s32 $0xFFFFC000  }
0x6a: {  	_ =	swait.ge [sflag:s28], $0x4000  }
0x6b: {  	[sflag:s28] =	ssyncset.done $0x0  }
0x6c: {  	[sflag:s28] =	ssyncadd.s32 $0xFFFFC000  }
0x6d: {  	[hbm4b:s9+s2] =	stream.linear.scatter [tilespmem:s25], [sflag:$0x3], $0x4000, $0x38;
	[tilespmem:$0xA000] =	vst v63  }
0x6e: {  	_ =	swait.ge [sflag:s21], $0x4000  }
0x6f: {  	[sflag:s21] =	ssyncset.done $0x0  }
0x70: {  	s1 =	simm.s32 $0x1C00;
	[sflag:s21] =	ssyncadd.s32 $0xFFFFC000  }
0x71: {  	[tilespmem:s24], [sflag:$0x1] =	stream.indirect.gather [hbm4b:s4+s23], $0x80, s1, s23, $0xb8;
	[tilespmem:$0xA000] =	vst v63  }
0x72: {  	s5 =	simm.s32 $0x1C80  }
0x73: {  	[tilespmem:s25], [sflag:$0x2] =	stream.indirect.gather [hbm4b:s4+s23], $0x80, s5, s23, $0xb8;
	[tilespmem:$0xA000] =	vst v63  }
0x74: {  	_ =	swait.ge [sflag:s26], $0x4000  }
0x75: {  	[sflag:s26] =	ssyncset.done $0x0  }
0x76: {  	[sflag:s26] =	ssyncadd.s32 $0xFFFFC000  }
0x77: {  	[hbm4b:s10+s2] =	stream.linear.scatter [tilespmem:s24], [sflag:$0x3], $0x4000, $0x38;
	[tilespmem:$0xA000] =	vst v63  }
0x78: {  	_ =	swait.ge [sflag:s21], $0x4000  }
0x79: {  	[sflag:s21] =	ssyncset.done $0x0  }
0x7a: {  	[sflag:s21] =	ssyncadd.s32 $0xFFFFC000  }
0x7b: {  	_ =	swait.ge [sflag:s28], $0x4000  }
0x7c: {  	[sflag:s28] =	ssyncset.done $0x0  }
0x7d: {  	[sflag:s28] =	ssyncadd.s32 $0xFFFFC000  }
0x7e: {  	[hbm4b:s11+s2] =	stream.linear.scatter [tilespmem:s25], [sflag:$0x3], $0x4000, $0x38;
	[tilespmem:$0xA000] =	vst v63  }
0x7f: {  	_ =	swait.ge [sflag:s21], $0x4000  }
0x80: {  	[sflag:s21] =	ssyncset.done $0x0  }
0x81: {  	s29 =	simm.s32 $0x1D00;
	[sflag:s21] =	ssyncadd.s32 $0xFFFFC000  }
0x82: {  	[tilespmem:s24], [sflag:$0x1] =	stream.indirect.gather [hbm4b:s4+s23], $0x80, s29, s23, $0xb8;
	[tilespmem:$0xA000] =	vst v63  }
0x83: {  	s31 =	simm.s32 $0x1D80  }
0x84: {  	[tilespmem:s25], [sflag:$0x2] =	stream.indirect.gather [hbm4b:s4+s23], $0x80, s31, s23, $0xb8;
	[tilespmem:$0xA000] =	vst v63  }
0x85: {  	_ =	swait.ge [sflag:s26], $0x4000  }
0x86: {  	[sflag:s26] =	ssyncset.done $0x0  }
0x87: {  	[sflag:s26] =	ssyncadd.s32 $0xFFFFC000  }
0x88: {  	[hbm4b:s13+s2] =	stream.linear.scatter [tilespmem:s24], [sflag:$0x3], $0x4000, $0x38;
	[tilespmem:$0xA000] =	vst v63  }
0x89: {  	_ =	swait.ge [sflag:s21], $0x4000  }
0x8a: {  	[sflag:s21] =	ssyncset.done $0x0  }
0x8b: {  	[sflag:s21] =	ssyncadd.s32 $0xFFFFC000  }
0x8c: {  	_ =	swait.ge [sflag:s28], $0x4000  }
0x8d: {  	[sflag:s28] =	ssyncset.done $0x0  }
0x8e: {  	[sflag:s28] =	ssyncadd.s32 $0xFFFFC000  }
0x8f: {  	[hbm4b:s15+s2] =	stream.linear.scatter [tilespmem:s25], [sflag:$0x3], $0x4000, $0x38;
	[tilespmem:$0xA000] =	vst v63  }
0x90: {  	_ =	swait.ge [sflag:s21], $0x4000  }
0x91: {  	[sflag:s21] =	ssyncset.done $0x0  }
0x92: {  	s1 =	simm.s32 $0x1E00;
	[sflag:s21] =	ssyncadd.s32 $0xFFFFC000  }
0x93: {  	[tilespmem:s24], [sflag:$0x1] =	stream.indirect.gather [hbm4b:s4+s23], $0x80, s1, s23, $0xb8;
	[tilespmem:$0xA000] =	vst v63  }
0x94: {  	s5 =	simm.s32 $0x1E80  }
0x95: {  	[tilespmem:s25], [sflag:$0x2] =	stream.indirect.gather [hbm4b:s4+s23], $0x80, s5, s23, $0xb8;
	[tilespmem:$0xA000] =	vst v63  }
0x96: {  	_ =	swait.ge [sflag:s26], $0x4000  }
0x97: {  	[sflag:s26] =	ssyncset.done $0x0  }
0x98: {  	[sflag:s26] =	ssyncadd.s32 $0xFFFFC000  }
0x99: {  	[hbm4b:s16+s2] =	stream.linear.scatter [tilespmem:s24], [sflag:$0x3], $0x4000, $0x38;
	[tilespmem:$0xA000] =	vst v63  }
0x9a: {  	_ =	swait.ge [sflag:s21], $0x4000  }
0x9b: {  	[sflag:s21] =	ssyncset.done $0x0  }
0x9c: {  	[sflag:s21] =	ssyncadd.s32 $0xFFFFC000  }
0x9d: {  	_ =	swait.ge [sflag:s28], $0x4000  }
0x9e: {  	[sflag:s28] =	ssyncset.done $0x0  }
0x9f: {  	[sflag:s28] =	ssyncadd.s32 $0xFFFFC000  }
0xa0: {  	[hbm4b:s17+s2] =	stream.linear.scatter [tilespmem:s25], [sflag:$0x3], $0x4000, $0x38;
	[tilespmem:$0xA000] =	vst v63  }
0xa1: {  	_ =	swait.ge [sflag:s21], $0x4000  }
0xa2: {  	[sflag:s21] =	ssyncset.done $0x0  }
0xa3: {  	s29 =	simm.s32 $0x1F00;
	[sflag:s21] =	ssyncadd.s32 $0xFFFFC000  }
0xa4: {  	[tilespmem:s24], [sflag:$0x1] =	stream.indirect.gather [hbm4b:s4+s23], $0x80, s29, s23, $0xb8;
	[tilespmem:$0xA000] =	vst v63  }
0xa5: {  	s31 =	simm.s32 $0x1F80  }
0xa6: {  	[tilespmem:s25], [sflag:$0x2] =	stream.indirect.gather [hbm4b:s4+s23], $0x80, s31, s23, $0xb8;
	[tilespmem:$0xA000] =	vst v63  }
0xa7: {  	_ =	swait.ge [sflag:s26], $0x4000  }
0xa8: {  	[sflag:s26] =	ssyncset.done $0x0  }
0xa9: {  	[sflag:s26] =	ssyncadd.s32 $0xFFFFC000  }
0xaa: {  	[hbm4b:s18+s2] =	stream.linear.scatter [tilespmem:s24], [sflag:$0x3], $0x4000, $0x38;
	[tilespmem:$0xA000] =	vst v63  }
0xab: {  	_ =	swait.ge [sflag:s21], $0x4000  }
0xac: {  	[sflag:s21] =	ssyncset.done $0x0  }
0xad: {  	[sflag:s21] =	ssyncadd.s32 $0xFFFFC000  }
0xae: {  	s30 =	sadd.s32 $0x1, s30;
	_ =	swait.ge [sflag:s28], $0x4000  }
0xaf: {  	p0 =	sne.s32 s30, s14;
	[sflag:s28] =	ssyncset.done $0x0  }
.Ltmp1:
0xb0: {  	[sflag:s28] =	ssyncadd.s32 $0xFFFFC000;
	(pc) =	sbr.rel @p0 .LBB2_1-.Ltmp1, $4  }
0xb1: {  	[hbm4b:s19+s2] =	stream.linear.scatter [tilespmem:s25], [sflag:$0x3], $0x4000, $0x38;
	[tilespmem:$0xA000] =	vst v63  }
0xb2: {  	_ =	swait.ge [sflag:s21], $0x4000  }
0xb3: {  	[sflag:s21] =	ssyncset.done $0x0  }
0xb4: {  	[sflag:s21] =	ssyncadd.s32 $0xFFFFC000  }
0xb5: {  	_ =	sfence.sel $0x180000  }
0xb6: {  	[bflag:$0x0] =	sbarrier.arrive $0xFFFF  }
0xb7: {  	_ =	strace $0x90000047  }
0xb8: {  	s0 =	stileid.u32;
	[bflag:$0x2] =	sbarrier.arrive $0xFFFF  }
0xb9: {  	p0 =	sne.s32 s0, $0x0;
	s0 =	rddreg [dreg:$0x1]  }
0xba: {  	s0 =	sadd.s32 @!p0 $0x100000, s0  }
0xbb: {  	[sflag:s0] =	ssyncadd.tile.s32 @!p0 $0x1;
	_ =	shalt  }
.Lfunc_end2:
_tile_overlayer_lowered:
.L_overlay_start_2:
0xbc: {  	(tag) =	ssettag $0x2  }
0xbd: {  	s0 =	rddreg [dreg:$0x0];
	s2 =	stileid.u32  }
0xbe: {  	s1 =	rddreg [dreg:$0x1];
	p0 =	sne.s32 s2, $0x0  }
0xbf: {  	s3 =	rddreg [dreg:$0x2];
	[bflag:$0x3] =	sbarrier.arrive $0xFFFF;
	s2 =	simm.s32 @!p0 $0x1C03  }
0xc0: {  	[timem:s3], [sflag:s2] =	dma.local @!p0 [hbm:s0], s1  }
0xc1: {  	s0 =	simm.s32 @!p0 $0x3  }
0xc2: {  	_ =	swait.ge @!p0 [sflag:s0], s1  }
0xc3: {  	s1 =	ssub.s32 @!p0 $0x0, s1;
	[sflag:s0] =	ssyncset.done @!p0 $0x0  }
0xc4: {  	[sflag:s0] =	ssyncadd.s32 @!p0 s1  }
0xc5: {  	[bflag:$0x3] =	sbarrier.arrive $0xFFFF  }
0xc6: {  	_ =	shalt  }

</sc_bundles>
